<compile_context>
chip_gen: v7x
topology: tpu7x:2x2x1
jax: 0.10.2.dev20260603
libtpu: 0.0.44.dev20260713+nightly
codegen_flags: <defaults>
</compile_context>

<pallas_src>
import functools

import jax
import jax.numpy as jnp
from jax import lax
from jax.experimental import pallas as pl
from jax.experimental.pallas import tpu as pltpu
from jax.experimental.pallas import tpu_sc as plsc

B, C, H, W = 4, 384, 64, 64
H_OUT, W_OUT = 128, 128
P = B * C
IN_PLANE = H * W
OUT_PLANE = H_OUT * W_OUT
NC, NS, L = 2, 16, 16
NW = NC * NS
PER_W = P // NW

_mesh = plsc.VectorSubcoreMesh(core_axis_name="c", subcore_axis_name="s")


@functools.partial(
    pl.kernel,
    out_type=jax.ShapeDtypeStruct((P, OUT_PLANE), jnp.float32),
    mesh=_mesh,
    compiler_params=pltpu.CompilerParams(needs_layout_passes=False),
    scratch_types=[
        pltpu.VMEM((IN_PLANE + L,), jnp.int32),
        pltpu.VMEM((IN_PLANE + L,), jnp.int32),
        pltpu.VMEM((IN_PLANE,), jnp.float32),
        pltpu.VMEM((IN_PLANE,), jnp.float32),
        pltpu.VMEM((OUT_PLANE,), jnp.float32),
        pltpu.VMEM((OUT_PLANE,), jnp.float32),
        pltpu.SemaphoreType.DMA,
        pltpu.SemaphoreType.DMA,
        pltpu.SemaphoreType.DMA,
        pltpu.SemaphoreType.DMA,
        pltpu.SemaphoreType.DMA,
        pltpu.SemaphoreType.DMA,
    ],
)
def _scatter_sorted(key_hbm, val_hbm, out_hbm, key_v0, key_v1, val_v0, val_v1,
                    out_v0, out_v1, ksem0, ksem1, vsem0, vsem1, osem0, osem1):
    wid = lax.axis_index("s") * NC + lax.axis_index("c")
    base = wid * PER_W
    key_v = (key_v0, key_v1)
    val_v = (val_v0, val_v1)
    out_v = (out_v0, out_v1)
    ksem = (ksem0, ksem1)
    vsem = (vsem0, vsem1)
    osem = (osem0, osem1)

    zeros = jnp.zeros((L,), jnp.float32)

    def zb(i, _):
        out_v0[pl.ds(i * L, L)] = zeros
        out_v1[pl.ds(i * L, L)] = zeros
        return 0

    lax.fori_loop(0, OUT_PLANE // L, zb, 0, unroll=8)

    key_v0[pl.ds(IN_PLANE, L)] = jnp.full((L,), -1, jnp.int32)
    key_v1[pl.ds(IN_PLANE, L)] = jnp.full((L,), -1, jnp.int32)

    def start_in(j, b):
        p = base + j
        pltpu.make_async_copy(
            key_hbm.at[pl.ds(p * IN_PLANE, IN_PLANE)],
            key_v[b].at[pl.ds(0, IN_PLANE)], ksem[b]).start()
        pltpu.make_async_copy(
            val_hbm.at[pl.ds(p * IN_PLANE, IN_PLANE)],
            val_v[b], vsem[b]).start()

    def wait_in(b):
        pltpu.make_async_copy(
            key_hbm.at[pl.ds(0, IN_PLANE)],
            key_v[b].at[pl.ds(0, IN_PLANE)], ksem[b]).wait()
        pltpu.make_async_copy(
            val_hbm.at[pl.ds(0, IN_PLANE)], val_v[b], vsem[b]).wait()

    def scatter(b):
        def sb(i, _):
            k0 = key_v[b][pl.ds(i * L, L)]
            k1 = key_v[b][pl.ds(i * L + 1, L)]
            vv = val_v[b][pl.ds(i * L, L)]
            local = lax.bitwise_and(k0, jnp.int32(OUT_PLANE - 1))
            plsc.store_scatter(out_v[b], [local], vv, mask=k0 != k1)
            return 0

        lax.fori_loop(0, IN_PLANE // L, sb, 0, unroll=8)

    def restore(b):
        def rb(i, _):
            k0 = key_v[b][pl.ds(i * L, L)]
            local = lax.bitwise_and(k0, jnp.int32(OUT_PLANE - 1))
            plsc.store_scatter(out_v[b], [local], zeros)
            return 0

        lax.fori_loop(0, IN_PLANE // L, rb, 0, unroll=8)

    def start_out(j, b):
        pltpu.make_async_copy(out_v[b], out_hbm.at[base + j], osem[b]).start()

    def wait_out(b):
        pltpu.make_async_copy(out_v[b], out_hbm.at[base], osem[b]).wait()

    start_in(0, 0)
    start_in(1, 1)
    wait_in(0)
    scatter(0)
    start_out(0, 0)

    def pair_body(t, _):
        j1 = 2 * t + 1
        wait_in(1)
        scatter(1)
        start_out(j1, 1)
        wait_out(0)
        restore(0)
        start_in(j1 + 1, 0)

        j2 = 2 * t + 2
        wait_in(0)
        scatter(0)
        start_out(j2, 0)
        wait_out(1)
        restore(1)
        start_in(j2 + 1, 1)
        return 0

    lax.fori_loop(0, PER_W // 2 - 1, pair_body, 0)

    wait_in(1)
    scatter(1)
    start_out(PER_W - 1, 1)
    wait_out(0)
    wait_out(1)


def kernel(input, index):
    flat_idx = input.reshape(P, IN_PLANE)
    offsets = (jnp.arange(P, dtype=flat_idx.dtype) * OUT_PLANE)[:, None]
    lin = (flat_idx + offsets).reshape(-1)
    sk, sv = lax.sort((lin, index.reshape(-1)), num_keys=1, is_stable=False)
    out = _scatter_sorted(sk, sv)
    return out.reshape(B, C, H_OUT, W_OUT)

# --- scband reference (transcript-rebuilt; emitter-appended) ---
"""Pipeline reference for scband-max-unpool2d-indexed-69320772158212 (READ-ONLY COPY).

The authoritative reference and input builder live on the scoring server;
editing this copy changes nothing except your own understanding.
"""

import jax, jax.numpy as jnp
import numpy as np

KERNEL = 2
STRIDE = 2
PAD = 0
B, C, H, W = 4, 384, 64, 64
H_OUT = (H - 1) * STRIDE - 2 * PAD + KERNEL
W_OUT = (W - 1) * STRIDE - 2 * PAD + KERNEL


def max_unpool2d(values, indices):
    # Faithful port of nn.MaxUnpool2d: zeros output of the unpooled size,
    # scatter-overwrite pooled values at the flattened per-plane indices.
    b, c, h, w = values.shape
    plane = H_OUT * W_OUT
    flat_vals = values.reshape(b * c * h * w)
    flat_idx = indices.reshape(b * c, h * w)
    offsets = (jnp.arange(b * c, dtype=flat_idx.dtype) * plane)[:, None]
    lin = (flat_idx + offsets).reshape(-1)
    out = jnp.zeros((b * c * plane,), values.dtype).at[lin].set(flat_vals)
    return out.reshape(b, c, H_OUT, W_OUT)


def setup_inputs(seed: int = 0) -> dict:
    key = jax.random.key(seed)
    k1, k2 = jax.random.split(key)
    # forward arg `input` is actually the int indices tensor (the module calls
    # self.unpool(self.index, input), so `input` lands in the `indices` slot).
    indices = jax.random.randint(k1, (B, C, H, W), 0, H_OUT * W_OUT, dtype=jnp.int32)
    # constructor tensor `self.index` holds the pooled float values.
    index = jax.random.normal(k2, (B, C, H, W), dtype=jnp.float32)
    return {"input": indices, "index": index}


def reference(input, index):
    # MaxUnpool2d_indexed.forward: return self.unpool(self.index, input)
    return max_unpool2d(index, input)

if __name__ == "__main__":
    import jax
    _d = setup_inputs()
    print(jax.jit(kernel)(*tuple(_d.values())))

</pallas_src>

<mosaic_0001>
#map = affine_map<(d0, d1) -> (0)>
#map1 = affine_map<(d0, d1) -> (0, 0)>
module attributes {stable_mosaic.version = 14 : i64} {
  func.func @_scatter_sorted(%arg0: i32, %arg1: i32, %arg2: memref<6291456xi32, #tpu.memory_space<hbm>>, %arg3: memref<6291456xf32, #tpu.memory_space<hbm>>, %arg4: memref<1536x16384xf32, #tpu.memory_space<hbm>>, %arg5: memref<4112xi32, #tpu.memory_space<vmem>>, %arg6: memref<4112xi32, #tpu.memory_space<vmem>>, %arg7: memref<4096xf32, #tpu.memory_space<vmem>>, %arg8: memref<4096xf32, #tpu.memory_space<vmem>>, %arg9: memref<16384xf32, #tpu.memory_space<vmem>>, %arg10: memref<16384xf32, #tpu.memory_space<vmem>>, %arg11: memref<!tpu.dma_semaphore, #tpu.memory_space<semaphore_mem>>, %arg12: memref<!tpu.dma_semaphore, #tpu.memory_space<semaphore_mem>>, %arg13: memref<!tpu.dma_semaphore, #tpu.memory_space<semaphore_mem>>, %arg14: memref<!tpu.dma_semaphore, #tpu.memory_space<semaphore_mem>>, %arg15: memref<!tpu.dma_semaphore, #tpu.memory_space<semaphore_mem>>, %arg16: memref<!tpu.dma_semaphore, #tpu.memory_space<semaphore_mem>>) attributes {dimension_semantics = [#tpu.dimension_semantics<core_parallel>, #tpu.dimension_semantics<subcore_parallel>], iteration_bounds = array<i64: 2, 16>, scalar_prefetch = 0 : i64, scratch_operands = 12 : i64, tpu.core_type = #tpu.core_type<sc_vector_subcore>, window_params = [{transform_indices = #map}, {transform_indices = #map}, {transform_indices = #map1}]} {
    %mul3A = arith.constant 2 : i32
    %mul3A_0 = arith.muli %arg1, %mul3A : i32
    %add3A = arith.addi %mul3A_0, %arg0 : i32
    %mul3A_1 = arith.constant 48 : i32
    %mul3A_2 = arith.muli %add3A, %mul3A_1 : i32
    %broadcast_in_dim3A = arith.constant 0.000000e+00 : f32
    %broadcast_in_dim3A_3 = vector.broadcast %broadcast_in_dim3A : f32 to vector<16xf32>
    %scan3A = arith.constant 0 : i32
    %scan3A_4 = arith.constant 0 : i32
    %scan3A_5 = arith.constant 1024 : i32
    %scan3A_6 = arith.addi %scan3A_4, %scan3A_5 : i32
    %scan3A_7 = arith.constant 8 : i32
    %scan3A_8 = scf.for %scan3A_116 = %scan3A_4 to %scan3A_6 step %scan3A_7 iter_args(%scan3A_117 = %scan3A) -> (i32)  : i32 {
      %mul3A_118 = arith.constant 16 : i32
      %mul3A_119 = arith.muli %scan3A_116, %mul3A_118 : i32
      %swap3A_120 = arith.index_cast %mul3A_119 : i32 to index
      %swap3A_121 = tpu.vector_load %arg9[%swap3A_120] {strides = array<i32>} : memref<16384xf32, #tpu.memory_space<vmem>>, vector<16xf32>,
      tpu.vector_store %arg9[%swap3A_120], %broadcast_in_dim3A_3 {strides = array<i32>} : memref<16384xf32, #tpu.memory_space<vmem>>, vector<16xf32>,
      %mul3A_122 = arith.constant 16 : i32
      %mul3A_123 = arith.muli %scan3A_116, %mul3A_122 : i32
      %swap3A_124 = arith.index_cast %mul3A_123 : i32 to index
      %swap3A_125 = tpu.vector_load %arg10[%swap3A_124] {strides = array<i32>} : memref<16384xf32, #tpu.memory_space<vmem>>, vector<16xf32>,
      tpu.vector_store %arg10[%swap3A_124], %broadcast_in_dim3A_3 {strides = array<i32>} : memref<16384xf32, #tpu.memory_space<vmem>>, vector<16xf32>,
      %scan3A_126 = arith.constant 0 : i32
      %scan3A_127 = arith.constant 1 : i32
      %scan3A_128 = arith.addi %scan3A_116, %scan3A_127 : i32
      %mul3A_129 = arith.constant 16 : i32
      %mul3A_130 = arith.muli %scan3A_128, %mul3A_129 : i32
      %swap3A_131 = arith.index_cast %mul3A_130 : i32 to index
      %swap3A_132 = tpu.vector_load %arg9[%swap3A_131] {strides = array<i32>} : memref<16384xf32, #tpu.memory_space<vmem>>, vector<16xf32>,
      tpu.vector_store %arg9[%swap3A_131], %broadcast_in_dim3A_3 {strides = array<i32>} : memref<16384xf32, #tpu.memory_space<vmem>>, vector<16xf32>,
      %mul3A_133 = arith.constant 16 : i32
      %mul3A_134 = arith.muli %scan3A_128, %mul3A_133 : i32
      %swap3A_135 = arith.index_cast %mul3A_134 : i32 to index
      %swap3A_136 = tpu.vector_load %arg10[%swap3A_135] {strides = array<i32>} : memref<16384xf32, #tpu.memory_space<vmem>>, vector<16xf32>,
      tpu.vector_store %arg10[%swap3A_135], %broadcast_in_dim3A_3 {strides = array<i32>} : memref<16384xf32, #tpu.memory_space<vmem>>, vector<16xf32>,
      %scan3A_137 = arith.constant 0 : i32
      %scan3A_138 = arith.constant 2 : i32
      %scan3A_139 = arith.addi %scan3A_116, %scan3A_138 : i32
      %mul3A_140 = arith.constant 16 : i32
      %mul3A_141 = arith.muli %scan3A_139, %mul3A_140 : i32
      %swap3A_142 = arith.index_cast %mul3A_141 : i32 to index
      %swap3A_143 = tpu.vector_load %arg9[%swap3A_142] {strides = array<i32>} : memref<16384xf32, #tpu.memory_space<vmem>>, vector<16xf32>,
      tpu.vector_store %arg9[%swap3A_142], %broadcast_in_dim3A_3 {strides = array<i32>} : memref<16384xf32, #tpu.memory_space<vmem>>, vector<16xf32>,
      %mul3A_144 = arith.constant 16 : i32
      %mul3A_145 = arith.muli %scan3A_139, %mul3A_144 : i32
      %swap3A_146 = arith.index_cast %mul3A_145 : i32 to index
      %swap3A_147 = tpu.vector_load %arg10[%swap3A_146] {strides = array<i32>} : memref<16384xf32, #tpu.memory_space<vmem>>, vector<16xf32>,
      tpu.vector_store %arg10[%swap3A_146], %broadcast_in_dim3A_3 {strides = array<i32>} : memref<16384xf32, #tpu.memory_space<vmem>>, vector<16xf32>,
      %scan3A_148 = arith.constant 0 : i32
      %scan3A_149 = arith.constant 3 : i32
      %scan3A_150 = arith.addi %scan3A_116, %scan3A_149 : i32
      %mul3A_151 = arith.constant 16 : i32
      %mul3A_152 = arith.muli %scan3A_150, %mul3A_151 : i32
      %swap3A_153 = arith.index_cast %mul3A_152 : i32 to index
      %swap3A_154 = tpu.vector_load %arg9[%swap3A_153] {strides = array<i32>} : memref<16384xf32, #tpu.memory_space<vmem>>, vector<16xf32>,
      tpu.vector_store %arg9[%swap3A_153], %broadcast_in_dim3A_3 {strides = array<i32>} : memref<16384xf32, #tpu.memory_space<vmem>>, vector<16xf32>,
      %mul3A_155 = arith.constant 16 : i32
      %mul3A_156 = arith.muli %scan3A_150, %mul3A_155 : i32
      %swap3A_157 = arith.index_cast %mul3A_156 : i32 to index
      %swap3A_158 = tpu.vector_load %arg10[%swap3A_157] {strides = array<i32>} : memref<16384xf32, #tpu.memory_space<vmem>>, vector<16xf32>,
      tpu.vector_store %arg10[%swap3A_157], %broadcast_in_dim3A_3 {strides = array<i32>} : memref<16384xf32, #tpu.memory_space<vmem>>, vector<16xf32>,
      %scan3A_159 = arith.constant 0 : i32
      %scan3A_160 = arith.constant 4 : i32
      %scan3A_161 = arith.addi %scan3A_116, %scan3A_160 : i32
      %mul3A_162 = arith.constant 16 : i32
      %mul3A_163 = arith.muli %scan3A_161, %mul3A_162 : i32
      %swap3A_164 = arith.index_cast %mul3A_163 : i32 to index
      %swap3A_165 = tpu.vector_load %arg9[%swap3A_164] {strides = array<i32>} : memref<16384xf32, #tpu.memory_space<vmem>>, vector<16xf32>,
      tpu.vector_store %arg9[%swap3A_164], %broadcast_in_dim3A_3 {strides = array<i32>} : memref<16384xf32, #tpu.memory_space<vmem>>, vector<16xf32>,
      %mul3A_166 = arith.constant 16 : i32
      %mul3A_167 = arith.muli %scan3A_161, %mul3A_166 : i32
      %swap3A_168 = arith.index_cast %mul3A_167 : i32 to index
      %swap3A_169 = tpu.vector_load %arg10[%swap3A_168] {strides = array<i32>} : memref<16384xf32, #tpu.memory_space<vmem>>, vector<16xf32>,
      tpu.vector_store %arg10[%swap3A_168], %broadcast_in_dim3A_3 {strides = array<i32>} : memref<16384xf32, #tpu.memory_space<vmem>>, vector<16xf32>,
      %scan3A_170 = arith.constant 0 : i32
      %scan3A_171 = arith.constant 5 : i32
      %scan3A_172 = arith.addi %scan3A_116, %scan3A_171 : i32
      %mul3A_173 = arith.constant 16 : i32
      %mul3A_174 = arith.muli %scan3A_172, %mul3A_173 : i32
      %swap3A_175 = arith.index_cast %mul3A_174 : i32 to index
      %swap3A_176 = tpu.vector_load %arg9[%swap3A_175] {strides = array<i32>} : memref<16384xf32, #tpu.memory_space<vmem>>, vector<16xf32>,
      tpu.vector_store %arg9[%swap3A_175], %broadcast_in_dim3A_3 {strides = array<i32>} : memref<16384xf32, #tpu.memory_space<vmem>>, vector<16xf32>,
      %mul3A_177 = arith.constant 16 : i32
      %mul3A_178 = arith.muli %scan3A_172, %mul3A_177 : i32
      %swap3A_179 = arith.index_cast %mul3A_178 : i32 to index
      %swap3A_180 = tpu.vector_load %arg10[%swap3A_179] {strides = array<i32>} : memref<16384xf32, #tpu.memory_space<vmem>>, vector<16xf32>,
      tpu.vector_store %arg10[%swap3A_179], %broadcast_in_dim3A_3 {strides = array<i32>} : memref<16384xf32, #tpu.memory_space<vmem>>, vector<16xf32>,
      %scan3A_181 = arith.constant 0 : i32
      %scan3A_182 = arith.constant 6 : i32
      %scan3A_183 = arith.addi %scan3A_116, %scan3A_182 : i32
      %mul3A_184 = arith.constant 16 : i32
      %mul3A_185 = arith.muli %scan3A_183, %mul3A_184 : i32
      %swap3A_186 = arith.index_cast %mul3A_185 : i32 to index
      %swap3A_187 = tpu.vector_load %arg9[%swap3A_186] {strides = array<i32>} : memref<16384xf32, #tpu.memory_space<vmem>>, vector<16xf32>,
      tpu.vector_store %arg9[%swap3A_186], %broadcast_in_dim3A_3 {strides = array<i32>} : memref<16384xf32, #tpu.memory_space<vmem>>, vector<16xf32>,
      %mul3A_188 = arith.constant 16 : i32
      %mul3A_189 = arith.muli %scan3A_183, %mul3A_188 : i32
      %swap3A_190 = arith.index_cast %mul3A_189 : i32 to index
      %swap3A_191 = tpu.vector_load %arg10[%swap3A_190] {strides = array<i32>} : memref<16384xf32, #tpu.memory_space<vmem>>, vector<16xf32>,
      tpu.vector_store %arg10[%swap3A_190], %broadcast_in_dim3A_3 {strides = array<i32>} : memref<16384xf32, #tpu.memory_space<vmem>>, vector<16xf32>,
      %scan3A_192 = arith.constant 0 : i32
      %scan3A_193 = arith.constant 7 : i32
      %scan3A_194 = arith.addi %scan3A_116, %scan3A_193 : i32
      %mul3A_195 = arith.constant 16 : i32
      %mul3A_196 = arith.muli %scan3A_194, %mul3A_195 : i32
      %swap3A_197 = arith.index_cast %mul3A_196 : i32 to index
      %swap3A_198 = tpu.vector_load %arg9[%swap3A_197] {strides = array<i32>} : memref<16384xf32, #tpu.memory_space<vmem>>, vector<16xf32>,
      tpu.vector_store %arg9[%swap3A_197], %broadcast_in_dim3A_3 {strides = array<i32>} : memref<16384xf32, #tpu.memory_space<vmem>>, vector<16xf32>,
      %mul3A_199 = arith.constant 16 : i32
      %mul3A_200 = arith.muli %scan3A_194, %mul3A_199 : i32
      %swap3A_201 = arith.index_cast %mul3A_200 : i32 to index
      %swap3A_202 = tpu.vector_load %arg10[%swap3A_201] {strides = array<i32>} : memref<16384xf32, #tpu.memory_space<vmem>>, vector<16xf32>,
      tpu.vector_store %arg10[%swap3A_201], %broadcast_in_dim3A_3 {strides = array<i32>} : memref<16384xf32, #tpu.memory_space<vmem>>, vector<16xf32>,
      %scan3A_203 = arith.constant 0 : i32
      scf.yield %scan3A_203 : i32
    }
    %scan3A_9 = arith.constant 1024 : i32
    %broadcast_in_dim3A_10 = arith.constant -1 : i32
    %broadcast_in_dim3A_11 = vector.broadcast %broadcast_in_dim3A_10 : i32 to vector<16xi32>
    %swap3A = arith.constant 4096 : index
    %swap3A_12 = tpu.vector_load %arg5[%swap3A] {strides = array<i32>} : memref<4112xi32, #tpu.memory_space<vmem>>, vector<16xi32>,
    tpu.vector_store %arg5[%swap3A], %broadcast_in_dim3A_11 {strides = array<i32>} : memref<4112xi32, #tpu.memory_space<vmem>>, vector<16xi32>,
    %broadcast_in_dim3A_13 = arith.constant -1 : i32
    %broadcast_in_dim3A_14 = vector.broadcast %broadcast_in_dim3A_13 : i32 to vector<16xi32>
    %swap3A_15 = arith.constant 4096 : index
    %swap3A_16 = tpu.vector_load %arg6[%swap3A_15] {strides = array<i32>} : memref<4112xi32, #tpu.memory_space<vmem>>, vector<16xi32>,
    tpu.vector_store %arg6[%swap3A_15], %broadcast_in_dim3A_14 {strides = array<i32>} : memref<4112xi32, #tpu.memory_space<vmem>>, vector<16xi32>,
    %add3A_17 = arith.constant 0 : i32
    %add3A_18 = arith.addi %mul3A_2, %add3A_17 : i32
    %mul3A_19 = arith.constant 4096 : i32
    %mul3A_20 = arith.muli %add3A_18, %mul3A_19 : i32
    %dma_start3A = arith.constant 0 : i32
    %dma_start3A_21 = tpu.memref_slice %arg5[%dma_start3A] : memref<4112xi32, #tpu.memory_space<vmem>> -> memref<4096xi32, #tpu.memory_space<vmem>>
    %dma_start3A_22 = tpu.memref_slice %arg2[%mul3A_20] : memref<6291456xi32, #tpu.memory_space<hbm>> -> memref<4096xi32, #tpu.memory_space<hbm>>
    %dma_start3A_23 = arith.constant 0 : i32
    %dma_start3A_24 = tpu.memref_slice %arg5[%dma_start3A_23] : memref<4112xi32, #tpu.memory_space<vmem>> -> memref<4096xi32, #tpu.memory_space<vmem>>
    %dma_start3A_25 = tpu.memref_slice %arg2[%mul3A_20] : memref<6291456xi32, #tpu.memory_space<hbm>> -> memref<4096xi32, #tpu.memory_space<hbm>>
    tpu.enqueue_dma source(%dma_start3A_25 : memref<4096xi32, #tpu.memory_space<hbm>>) target(%dma_start3A_24 : memref<4096xi32, #tpu.memory_space<vmem>>) target_semaphore(%arg11 : memref<!tpu.dma_semaphore, #tpu.memory_space<semaphore_mem>>)
    %mul3A_26 = arith.constant 4096 : i32
    %mul3A_27 = arith.muli %add3A_18, %mul3A_26 : i32
    %dma_start3A_28 = tpu.memref_slice %arg3[%mul3A_27] : memref<6291456xf32, #tpu.memory_space<hbm>> -> memref<4096xf32, #tpu.memory_space<hbm>>
    %dma_start3A_29 = tpu.memref_slice %arg3[%mul3A_27] : memref<6291456xf32, #tpu.memory_space<hbm>> -> memref<4096xf32, #tpu.memory_space<hbm>>
    tpu.enqueue_dma source(%dma_start3A_29 : memref<4096xf32, #tpu.memory_space<hbm>>) target(%arg7 : memref<4096xf32, #tpu.memory_space<vmem>>) target_semaphore(%arg13 : memref<!tpu.dma_semaphore, #tpu.memory_space<semaphore_mem>>)
    %add3A_30 = arith.constant 1 : i32
    %add3A_31 = arith.addi %mul3A_2, %add3A_30 : i32
    %mul3A_32 = arith.constant 4096 : i32
    %mul3A_33 = arith.muli %add3A_31, %mul3A_32 : i32
    %dma_start3A_34 = arith.constant 0 : i32
    %dma_start3A_35 = tpu.memref_slice %arg6[%dma_start3A_34] : memref<4112xi32, #tpu.memory_space<vmem>> -> memref<4096xi32, #tpu.memory_space<vmem>>
    %dma_start3A_36 = tpu.memref_slice %arg2[%mul3A_33] : memref<6291456xi32, #tpu.memory_space<hbm>> -> memref<4096xi32, #tpu.memory_space<hbm>>
    %dma_start3A_37 = arith.constant 0 : i32
    %dma_start3A_38 = tpu.memref_slice %arg6[%dma_start3A_37] : memref<4112xi32, #tpu.memory_space<vmem>> -> memref<4096xi32, #tpu.memory_space<vmem>>
    %dma_start3A_39 = tpu.memref_slice %arg2[%mul3A_33] : memref<6291456xi32, #tpu.memory_space<hbm>> -> memref<4096xi32, #tpu.memory_space<hbm>>
    tpu.enqueue_dma source(%dma_start3A_39 : memref<4096xi32, #tpu.memory_space<hbm>>) target(%dma_start3A_38 : memref<4096xi32, #tpu.memory_space<vmem>>) target_semaphore(%arg12 : memref<!tpu.dma_semaphore, #tpu.memory_space<semaphore_mem>>)
    %mul3A_40 = arith.constant 4096 : i32
    %mul3A_41 = arith.muli %add3A_31, %mul3A_40 : i32
    %dma_start3A_42 = tpu.memref_slice %arg3[%mul3A_41] : memref<6291456xf32, #tpu.memory_space<hbm>> -> memref<4096xf32, #tpu.memory_space<hbm>>
    %dma_start3A_43 = tpu.memref_slice %arg3[%mul3A_41] : memref<6291456xf32, #tpu.memory_space<hbm>> -> memref<4096xf32, #tpu.memory_space<hbm>>
    tpu.enqueue_dma source(%dma_start3A_43 : memref<4096xf32, #tpu.memory_space<hbm>>) target(%arg8 : memref<4096xf32, #tpu.memory_space<vmem>>) target_semaphore(%arg14 : memref<!tpu.dma_semaphore, #tpu.memory_space<semaphore_mem>>)
    %dma_wait3A = arith.constant 0 : i32
    %dma_wait3A_44 = tpu.memref_slice %arg5[%dma_wait3A] : memref<4112xi32, #tpu.memory_space<vmem>> -> memref<4096xi32, #tpu.memory_space<vmem>>
    %dma_wait3A_45 = arith.constant 0 : i32
    %dma_wait3A_46 = tpu.memref_slice %arg2[%dma_wait3A_45] : memref<6291456xi32, #tpu.memory_space<hbm>> -> memref<4096xi32, #tpu.memory_space<hbm>>
    %dma_wait3A_47 = arith.constant 0 : i32
    %dma_wait3A_48 = tpu.memref_slice %arg5[%dma_wait3A_47] : memref<4112xi32, #tpu.memory_space<vmem>> -> memref<4096xi32, #tpu.memory_space<vmem>>
    %dma_wait3A_49 = arith.constant 0 : i32
    %dma_wait3A_50 = tpu.memref_slice %arg2[%dma_wait3A_49] : memref<6291456xi32, #tpu.memory_space<hbm>> -> memref<4096xi32, #tpu.memory_space<hbm>>
    tpu.wait_dma2 semaphore(%arg11 : memref<!tpu.dma_semaphore, #tpu.memory_space<semaphore_mem>>) src(%dma_wait3A_50 : memref<4096xi32, #tpu.memory_space<hbm>>) dst(%dma_wait3A_48 : memref<4096xi32, #tpu.memory_space<vmem>>)
    %dma_wait3A_51 = arith.constant 0 : i32
    %dma_wait3A_52 = tpu.memref_slice %arg3[%dma_wait3A_51] : memref<6291456xf32, #tpu.memory_space<hbm>> -> memref<4096xf32, #tpu.memory_space<hbm>>
    %dma_wait3A_53 = arith.constant 0 : i32
    %dma_wait3A_54 = tpu.memref_slice %arg3[%dma_wait3A_53] : memref<6291456xf32, #tpu.memory_space<hbm>> -> memref<4096xf32, #tpu.memory_space<hbm>>
    tpu.wait_dma2 semaphore(%arg13 : memref<!tpu.dma_semaphore, #tpu.memory_space<semaphore_mem>>) src(%dma_wait3A_54 : memref<4096xf32, #tpu.memory_space<hbm>>) dst(%arg7 : memref<4096xf32, #tpu.memory_space<vmem>>)
    %scan3A_55 = arith.constant 0 : i32
    %scan3A_56 = arith.constant 0 : i32
    %scan3A_57 = arith.constant 256 : i32
    %scan3A_58 = arith.addi %scan3A_56, %scan3A_57 : i32
    %scan3A_59 = arith.constant 8 : i32
    %scan3A_60 = scf.for %scan3A_116 = %scan3A_56 to %scan3A_58 step %scan3A_59 iter_args(%scan3A_117 = %scan3A_55) -> (i32)  : i32 {
      %mul3A_118 = arith.constant 16 : i32
      %mul3A_119 = arith.muli %scan3A_116, %mul3A_118 : i32
      %get3A = arith.index_cast %mul3A_119 : i32 to index
      %get3A_120 = tpu.vector_load %arg5[%get3A] {strides = array<i32>} : memref<4112xi32, #tpu.memory_space<vmem>>, vector<16xi32>,
      %mul3A_121 = arith.constant 16 : i32
      %mul3A_122 = arith.muli %scan3A_116, %mul3A_121 : i32
      %add3A_123 = arith.constant 1 : i32
      %add3A_124 = arith.addi %mul3A_122, %add3A_123 : i32
      %get3A_125 = arith.index_cast %add3A_124 : i32 to index
      %get3A_126 = tpu.vector_load %arg5[%get3A_125] {strides = array<i32>} : memref<4112xi32, #tpu.memory_space<vmem>>, vector<16xi32>,
      %mul3A_127 = arith.constant 16 : i32
      %mul3A_128 = arith.muli %scan3A_116, %mul3A_127 : i32
      %get3A_129 = arith.index_cast %mul3A_128 : i32 to index
      %get3A_130 = tpu.vector_load %arg7[%get3A_129] {strides = array<i32>} : memref<4096xf32, #tpu.memory_space<vmem>>, vector<16xf32>,
      %and3A = arith.constant 16383 : i32
      %and3A_131 = vector.broadcast %and3A : i32 to vector<16xi32>
      %and3A_132 = arith.andi %get3A_120, %and3A_131 : vector<16xi32>
      %ne3A = arith.cmpi ne, %get3A_120, %get3A_126 : vector<16xi32>
      tpu.vector_store_idx %arg9[%and3A_132], %get3A_130 masked %ne3A : memref<16384xf32, #tpu.memory_space<vmem>>[vector<16xi32>], vector<16xf32>, vector<16xi1>
      %scan3A_133 = arith.constant 0 : i32
      %scan3A_134 = arith.constant 1 : i32
      %scan3A_135 = arith.addi %scan3A_116, %scan3A_134 : i32
      %mul3A_136 = arith.constant 16 : i32
      %mul3A_137 = arith.muli %scan3A_135, %mul3A_136 : i32
      %get3A_138 = arith.index_cast %mul3A_137 : i32 to index
      %get3A_139 = tpu.vector_load %arg5[%get3A_138] {strides = array<i32>} : memref<4112xi32, #tpu.memory_space<vmem>>, vector<16xi32>,
      %mul3A_140 = arith.constant 16 : i32
      %mul3A_141 = arith.muli %scan3A_135, %mul3A_140 : i32
      %add3A_142 = arith.constant 1 : i32
      %add3A_143 = arith.addi %mul3A_141, %add3A_142 : i32
      %get3A_144 = arith.index_cast %add3A_143 : i32 to index
      %get3A_145 = tpu.vector_load %arg5[%get3A_144] {strides = array<i32>} : memref<4112xi32, #tpu.memory_space<vmem>>, vector<16xi32>,
      %mul3A_146 = arith.constant 16 : i32
      %mul3A_147 = arith.muli %scan3A_135, %mul3A_146 : i32
      %get3A_148 = arith.index_cast %mul3A_147 : i32 to index
      %get3A_149 = tpu.vector_load %arg7[%get3A_148] {strides = array<i32>} : memref<4096xf32, #tpu.memory_space<vmem>>, vector<16xf32>,
      %and3A_150 = arith.constant 16383 : i32
      %and3A_151 = vector.broadcast %and3A_150 : i32 to vector<16xi32>
      %and3A_152 = arith.andi %get3A_139, %and3A_151 : vector<16xi32>
      %ne3A_153 = arith.cmpi ne, %get3A_139, %get3A_145 : vector<16xi32>
      tpu.vector_store_idx %arg9[%and3A_152], %get3A_149 masked %ne3A_153 : memref<16384xf32, #tpu.memory_space<vmem>>[vector<16xi32>], vector<16xf32>, vector<16xi1>
      %scan3A_154 = arith.constant 0 : i32
      %scan3A_155 = arith.constant 2 : i32
      %scan3A_156 = arith.addi %scan3A_116, %scan3A_155 : i32
      %mul3A_157 = arith.constant 16 : i32
      %mul3A_158 = arith.muli %scan3A_156, %mul3A_157 : i32
      %get3A_159 = arith.index_cast %mul3A_158 : i32 to index
      %get3A_160 = tpu.vector_load %arg5[%get3A_159] {strides = array<i32>} : memref<4112xi32, #tpu.memory_space<vmem>>, vector<16xi32>,
      %mul3A_161 = arith.constant 16 : i32
      %mul3A_162 = arith.muli %scan3A_156, %mul3A_161 : i32
      %add3A_163 = arith.constant 1 : i32
      %add3A_164 = arith.addi %mul3A_162, %add3A_163 : i32
      %get3A_165 = arith.index_cast %add3A_164 : i32 to index
      %get3A_166 = tpu.vector_load %arg5[%get3A_165] {strides = array<i32>} : memref<4112xi32, #tpu.memory_space<vmem>>, vector<16xi32>,
      %mul3A_167 = arith.constant 16 : i32
      %mul3A_168 = arith.muli %scan3A_156, %mul3A_167 : i32
      %get3A_169 = arith.index_cast %mul3A_168 : i32 to index
      %get3A_170 = tpu.vector_load %arg7[%get3A_169] {strides = array<i32>} : memref<4096xf32, #tpu.memory_space<vmem>>, vector<16xf32>,
      %and3A_171 = arith.constant 16383 : i32
      %and3A_172 = vector.broadcast %and3A_171 : i32 to vector<16xi32>
      %and3A_173 = arith.andi %get3A_160, %and3A_172 : vector<16xi32>
      %ne3A_174 = arith.cmpi ne, %get3A_160, %get3A_166 : vector<16xi32>
      tpu.vector_store_idx %arg9[%and3A_173], %get3A_170 masked %ne3A_174 : memref<16384xf32, #tpu.memory_space<vmem>>[vector<16xi32>], vector<16xf32>, vector<16xi1>
      %scan3A_175 = arith.constant 0 : i32
      %scan3A_176 = arith.constant 3 : i32
      %scan3A_177 = arith.addi %scan3A_116, %scan3A_176 : i32
      %mul3A_178 = arith.constant 16 : i32
      %mul3A_179 = arith.muli %scan3A_177, %mul3A_178 : i32
      %get3A_180 = arith.index_cast %mul3A_179 : i32 to index
      %get3A_181 = tpu.vector_load %arg5[%get3A_180] {strides = array<i32>} : memref<4112xi32, #tpu.memory_space<vmem>>, vector<16xi32>,
      %mul3A_182 = arith.constant 16 : i32
      %mul3A_183 = arith.muli %scan3A_177, %mul3A_182 : i32
      %add3A_184 = arith.constant 1 : i32
      %add3A_185 = arith.addi %mul3A_183, %add3A_184 : i32
      %get3A_186 = arith.index_cast %add3A_185 : i32 to index
      %get3A_187 = tpu.vector_load %arg5[%get3A_186] {strides = array<i32>} : memref<4112xi32, #tpu.memory_space<vmem>>, vector<16xi32>,
      %mul3A_188 = arith.constant 16 : i32
      %mul3A_189 = arith.muli %scan3A_177, %mul3A_188 : i32
      %get3A_190 = arith.index_cast %mul3A_189 : i32 to index
      %get3A_191 = tpu.vector_load %arg7[%get3A_190] {strides = array<i32>} : memref<4096xf32, #tpu.memory_space<vmem>>, vector<16xf32>,
      %and3A_192 = arith.constant 16383 : i32
      %and3A_193 = vector.broadcast %and3A_192 : i32 to vector<16xi32>
      %and3A_194 = arith.andi %get3A_181, %and3A_193 : vector<16xi32>
      %ne3A_195 = arith.cmpi ne, %get3A_181, %get3A_187 : vector<16xi32>
      tpu.vector_store_idx %arg9[%and3A_194], %get3A_191 masked %ne3A_195 : memref<16384xf32, #tpu.memory_space<vmem>>[vector<16xi32>], vector<16xf32>, vector<16xi1>
      %scan3A_196 = arith.constant 0 : i32
      %scan3A_197 = arith.constant 4 : i32
      %scan3A_198 = arith.addi %scan3A_116, %scan3A_197 : i32
      %mul3A_199 = arith.constant 16 : i32
      %mul3A_200 = arith.muli %scan3A_198, %mul3A_199 : i32
      %get3A_201 = arith.index_cast %mul3A_200 : i32 to index
      %get3A_202 = tpu.vector_load %arg5[%get3A_201] {strides = array<i32>} : memref<4112xi32, #tpu.memory_space<vmem>>, vector<16xi32>,
      %mul3A_203 = arith.constant 16 : i32
      %mul3A_204 = arith.muli %scan3A_198, %mul3A_203 : i32
      %add3A_205 = arith.constant 1 : i32
      %add3A_206 = arith.addi %mul3A_204, %add3A_205 : i32
      %get3A_207 = arith.index_cast %add3A_206 : i32 to index
      %get3A_208 = tpu.vector_load %arg5[%get3A_207] {strides = array<i32>} : memref<4112xi32, #tpu.memory_space<vmem>>, vector<16xi32>,
      %mul3A_209 = arith.constant 16 : i32
      %mul3A_210 = arith.muli %scan3A_198, %mul3A_209 : i32
      %get3A_211 = arith.index_cast %mul3A_210 : i32 to index
      %get3A_212 = tpu.vector_load %arg7[%get3A_211] {strides = array<i32>} : memref<4096xf32, #tpu.memory_space<vmem>>, vector<16xf32>,
      %and3A_213 = arith.constant 16383 : i32
      %and3A_214 = vector.broadcast %and3A_213 : i32 to vector<16xi32>
      %and3A_215 = arith.andi %get3A_202, %and3A_214 : vector<16xi32>
      %ne3A_216 = arith.cmpi ne, %get3A_202, %get3A_208 : vector<16xi32>
      tpu.vector_store_idx %arg9[%and3A_215], %get3A_212 masked %ne3A_216 : memref<16384xf32, #tpu.memory_space<vmem>>[vector<16xi32>], vector<16xf32>, vector<16xi1>
      %scan3A_217 = arith.constant 0 : i32
      %scan3A_218 = arith.constant 5 : i32
      %scan3A_219 = arith.addi %scan3A_116, %scan3A_218 : i32
      %mul3A_220 = arith.constant 16 : i32
      %mul3A_221 = arith.muli %scan3A_219, %mul3A_220 : i32
      %get3A_222 = arith.index_cast %mul3A_221 : i32 to index
      %get3A_223 = tpu.vector_load %arg5[%get3A_222] {strides = array<i32>} : memref<4112xi32, #tpu.memory_space<vmem>>, vector<16xi32>,
      %mul3A_224 = arith.constant 16 : i32
      %mul3A_225 = arith.muli %scan3A_219, %mul3A_224 : i32
      %add3A_226 = arith.constant 1 : i32
      %add3A_227 = arith.addi %mul3A_225, %add3A_226 : i32
      %get3A_228 = arith.index_cast %add3A_227 : i32 to index
      %get3A_229 = tpu.vector_load %arg5[%get3A_228] {strides = array<i32>} : memref<4112xi32, #tpu.memory_space<vmem>>, vector<16xi32>,
      %mul3A_230 = arith.constant 16 : i32
      %mul3A_231 = arith.muli %scan3A_219, %mul3A_230 : i32
      %get3A_232 = arith.index_cast %mul3A_231 : i32 to index
      %get3A_233 = tpu.vector_load %arg7[%get3A_232] {strides = array<i32>} : memref<4096xf32, #tpu.memory_space<vmem>>, vector<16xf32>,
      %and3A_234 = arith.constant 16383 : i32
      %and3A_235 = vector.broadcast %and3A_234 : i32 to vector<16xi32>
      %and3A_236 = arith.andi %get3A_223, %and3A_235 : vector<16xi32>
      %ne3A_237 = arith.cmpi ne, %get3A_223, %get3A_229 : vector<16xi32>
      tpu.vector_store_idx %arg9[%and3A_236], %get3A_233 masked %ne3A_237 : memref<16384xf32, #tpu.memory_space<vmem>>[vector<16xi32>], vector<16xf32>, vector<16xi1>
      %scan3A_238 = arith.constant 0 : i32
      %scan3A_239 = arith.constant 6 : i32
      %scan3A_240 = arith.addi %scan3A_116, %scan3A_239 : i32
      %mul3A_241 = arith.constant 16 : i32
      %mul3A_242 = arith.muli %scan3A_240, %mul3A_241 : i32
      %get3A_243 = arith.index_cast %mul3A_242 : i32 to index
      %get3A_244 = tpu.vector_load %arg5[%get3A_243] {strides = array<i32>} : memref<4112xi32, #tpu.memory_space<vmem>>, vector<16xi32>,
      %mul3A_245 = arith.constant 16 : i32
      %mul3A_246 = arith.muli %scan3A_240, %mul3A_245 : i32
      %add3A_247 = arith.constant 1 : i32
      %add3A_248 = arith.addi %mul3A_246, %add3A_247 : i32
      %get3A_249 = arith.index_cast %add3A_248 : i32 to index
      %get3A_250 = tpu.vector_load %arg5[%get3A_249] {strides = array<i32>} : memref<4112xi32, #tpu.memory_space<vmem>>, vector<16xi32>,
      %mul3A_251 = arith.constant 16 : i32
      %mul3A_252 = arith.muli %scan3A_240, %mul3A_251 : i32
      %get3A_253 = arith.index_cast %mul3A_252 : i32 to index
      %get3A_254 = tpu.vector_load %arg7[%get3A_253] {strides = array<i32>} : memref<4096xf32, #tpu.memory_space<vmem>>, vector<16xf32>,
      %and3A_255 = arith.constant 16383 : i32
      %and3A_256 = vector.broadcast %and3A_255 : i32 to vector<16xi32>
      %and3A_257 = arith.andi %get3A_244, %and3A_256 : vector<16xi32>
      %ne3A_258 = arith.cmpi ne, %get3A_244, %get3A_250 : vector<16xi32>
      tpu.vector_store_idx %arg9[%and3A_257], %get3A_254 masked %ne3A_258 : memref<16384xf32, #tpu.memory_space<vmem>>[vector<16xi32>], vector<16xf32>, vector<16xi1>
      %scan3A_259 = arith.constant 0 : i32
      %scan3A_260 = arith.constant 7 : i32
      %scan3A_261 = arith.addi %scan3A_116, %scan3A_260 : i32
      %mul3A_262 = arith.constant 16 : i32
      %mul3A_263 = arith.muli %scan3A_261, %mul3A_262 : i32
      %get3A_264 = arith.index_cast %mul3A_263 : i32 to index
      %get3A_265 = tpu.vector_load %arg5[%get3A_264] {strides = array<i32>} : memref<4112xi32, #tpu.memory_space<vmem>>, vector<16xi32>,
      %mul3A_266 = arith.constant 16 : i32
      %mul3A_267 = arith.muli %scan3A_261, %mul3A_266 : i32
      %add3A_268 = arith.constant 1 : i32
      %add3A_269 = arith.addi %mul3A_267, %add3A_268 : i32
      %get3A_270 = arith.index_cast %add3A_269 : i32 to index
      %get3A_271 = tpu.vector_load %arg5[%get3A_270] {strides = array<i32>} : memref<4112xi32, #tpu.memory_space<vmem>>, vector<16xi32>,
      %mul3A_272 = arith.constant 16 : i32
      %mul3A_273 = arith.muli %scan3A_261, %mul3A_272 : i32
      %get3A_274 = arith.index_cast %mul3A_273 : i32 to index
      %get3A_275 = tpu.vector_load %arg7[%get3A_274] {strides = array<i32>} : memref<4096xf32, #tpu.memory_space<vmem>>, vector<16xf32>,
      %and3A_276 = arith.constant 16383 : i32
      %and3A_277 = vector.broadcast %and3A_276 : i32 to vector<16xi32>
      %and3A_278 = arith.andi %get3A_265, %and3A_277 : vector<16xi32>
      %ne3A_279 = arith.cmpi ne, %get3A_265, %get3A_271 : vector<16xi32>
      tpu.vector_store_idx %arg9[%and3A_278], %get3A_275 masked %ne3A_279 : memref<16384xf32, #tpu.memory_space<vmem>>[vector<16xi32>], vector<16xf32>, vector<16xi1>
      %scan3A_280 = arith.constant 0 : i32
      scf.yield %scan3A_280 : i32
    }
    %scan3A_61 = arith.constant 256 : i32
    %add3A_62 = arith.constant 0 : i32
    %add3A_63 = arith.addi %mul3A_2, %add3A_62 : i32
    %dma_start3A_64 = arith.constant 0 : i32
    %dma_start3A_65 = tpu.memref_slice %arg4[%add3A_63, %dma_start3A_64] : memref<1536x16384xf32, #tpu.memory_space<hbm>> -> memref<1x16384xf32, #tpu.memory_space<hbm>>
    %dma_start3A_66 = tpu.memref_squeeze %dma_start3A_65 : memref<1x16384xf32, #tpu.memory_space<hbm>> -> memref<16384xf32, #tpu.memory_space<hbm>>
    %dma_start3A_67 = arith.constant 0 : i32
    %dma_start3A_68 = tpu.memref_slice %arg4[%add3A_63, %dma_start3A_67] : memref<1536x16384xf32, #tpu.memory_space<hbm>> -> memref<1x16384xf32, #tpu.memory_space<hbm>>
    %dma_start3A_69 = tpu.memref_squeeze %dma_start3A_68 : memref<1x16384xf32, #tpu.memory_space<hbm>> -> memref<16384xf32, #tpu.memory_space<hbm>>
    tpu.enqueue_dma source(%arg9 : memref<16384xf32, #tpu.memory_space<vmem>>) target(%dma_start3A_69 : memref<16384xf32, #tpu.memory_space<hbm>>) target_semaphore(%arg15 : memref<!tpu.dma_semaphore, #tpu.memory_space<semaphore_mem>>)
    %scan3A_70 = arith.constant 0 : i32
    %scan3A_71 = arith.constant 0 : i32
    %scan3A_72 = arith.constant 23 : i32
    %scan3A_73 = arith.addi %scan3A_71, %scan3A_72 : i32
    %scan3A_74 = arith.constant 1 : i32
    %scan3A_75 = scf.for %scan3A_116 = %scan3A_71 to %scan3A_73 step %scan3A_74 iter_args(%scan3A_117 = %scan3A_70) -> (i32)  : i32 {
      %mul3A_118 = arith.constant 2 : i32
      %mul3A_119 = arith.muli %mul3A_118, %scan3A_116 : i32
      %add3A_120 = arith.constant 1 : i32
      %add3A_121 = arith.addi %mul3A_119, %add3A_120 : i32
      %dma_wait3A_122 = arith.constant 0 : i32
      %dma_wait3A_123 = tpu.memref_slice %arg6[%dma_wait3A_122] : memref<4112xi32, #tpu.memory_space<vmem>> -> memref<4096xi32, #tpu.memory_space<vmem>>
      %dma_wait3A_124 = arith.constant 0 : i32
      %dma_wait3A_125 = tpu.memref_slice %arg2[%dma_wait3A_124] : memref<6291456xi32, #tpu.memory_space<hbm>> -> memref<4096xi32, #tpu.memory_space<hbm>>
      %dma_wait3A_126 = arith.constant 0 : i32
      %dma_wait3A_127 = tpu.memref_slice %arg6[%dma_wait3A_126] : memref<4112xi32, #tpu.memory_space<vmem>> -> memref<4096xi32, #tpu.memory_space<vmem>>
      %dma_wait3A_128 = arith.constant 0 : i32
      %dma_wait3A_129 = tpu.memref_slice %arg2[%dma_wait3A_128] : memref<6291456xi32, #tpu.memory_space<hbm>> -> memref<4096xi32, #tpu.memory_space<hbm>>
      tpu.wait_dma2 semaphore(%arg12 : memref<!tpu.dma_semaphore, #tpu.memory_space<semaphore_mem>>) src(%dma_wait3A_129 : memref<4096xi32, #tpu.memory_space<hbm>>) dst(%dma_wait3A_127 : memref<4096xi32, #tpu.memory_space<vmem>>)
      %dma_wait3A_130 = arith.constant 0 : i32
      %dma_wait3A_131 = tpu.memref_slice %arg3[%dma_wait3A_130] : memref<6291456xf32, #tpu.memory_space<hbm>> -> memref<4096xf32, #tpu.memory_space<hbm>>
      %dma_wait3A_132 = arith.constant 0 : i32
      %dma_wait3A_133 = tpu.memref_slice %arg3[%dma_wait3A_132] : memref<6291456xf32, #tpu.memory_space<hbm>> -> memref<4096xf32, #tpu.memory_space<hbm>>
      tpu.wait_dma2 semaphore(%arg14 : memref<!tpu.dma_semaphore, #tpu.memory_space<semaphore_mem>>) src(%dma_wait3A_133 : memref<4096xf32, #tpu.memory_space<hbm>>) dst(%arg8 : memref<4096xf32, #tpu.memory_space<vmem>>)
      %scan3A_134 = arith.constant 0 : i32
      %scan3A_135 = arith.constant 0 : i32
      %scan3A_136 = arith.constant 256 : i32
      %scan3A_137 = arith.addi %scan3A_135, %scan3A_136 : i32
      %scan3A_138 = arith.constant 8 : i32
      %scan3A_139 = scf.for %scan3A_235 = %scan3A_135 to %scan3A_137 step %scan3A_138 iter_args(%scan3A_236 = %scan3A_134) -> (i32)  : i32 {
        %mul3A_237 = arith.constant 16 : i32
        %mul3A_238 = arith.muli %scan3A_235, %mul3A_237 : i32
        %get3A = arith.index_cast %mul3A_238 : i32 to index
        %get3A_239 = tpu.vector_load %arg6[%get3A] {strides = array<i32>} : memref<4112xi32, #tpu.memory_space<vmem>>, vector<16xi32>,
        %mul3A_240 = arith.constant 16 : i32
        %mul3A_241 = arith.muli %scan3A_235, %mul3A_240 : i32
        %add3A_242 = arith.constant 1 : i32
        %add3A_243 = arith.addi %mul3A_241, %add3A_242 : i32
        %get3A_244 = arith.index_cast %add3A_243 : i32 to index
        %get3A_245 = tpu.vector_load %arg6[%get3A_244] {strides = array<i32>} : memref<4112xi32, #tpu.memory_space<vmem>>, vector<16xi32>,
        %mul3A_246 = arith.constant 16 : i32
        %mul3A_247 = arith.muli %scan3A_235, %mul3A_246 : i32
        %get3A_248 = arith.index_cast %mul3A_247 : i32 to index
        %get3A_249 = tpu.vector_load %arg8[%get3A_248] {strides = array<i32>} : memref<4096xf32, #tpu.memory_space<vmem>>, vector<16xf32>,
        %and3A = arith.constant 16383 : i32
        %and3A_250 = vector.broadcast %and3A : i32 to vector<16xi32>
        %and3A_251 = arith.andi %get3A_239, %and3A_250 : vector<16xi32>
        %ne3A = arith.cmpi ne, %get3A_239, %get3A_245 : vector<16xi32>
        tpu.vector_store_idx %arg10[%and3A_251], %get3A_249 masked %ne3A : memref<16384xf32, #tpu.memory_space<vmem>>[vector<16xi32>], vector<16xf32>, vector<16xi1>
        %scan3A_252 = arith.constant 0 : i32
        %scan3A_253 = arith.constant 1 : i32
        %scan3A_254 = arith.addi %scan3A_235, %scan3A_253 : i32
        %mul3A_255 = arith.constant 16 : i32
        %mul3A_256 = arith.muli %scan3A_254, %mul3A_255 : i32
        %get3A_257 = arith.index_cast %mul3A_256 : i32 to index
        %get3A_258 = tpu.vector_load %arg6[%get3A_257] {strides = array<i32>} : memref<4112xi32, #tpu.memory_space<vmem>>, vector<16xi32>,
        %mul3A_259 = arith.constant 16 : i32
        %mul3A_260 = arith.muli %scan3A_254, %mul3A_259 : i32
        %add3A_261 = arith.constant 1 : i32
        %add3A_262 = arith.addi %mul3A_260, %add3A_261 : i32
        %get3A_263 = arith.index_cast %add3A_262 : i32 to index
        %get3A_264 = tpu.vector_load %arg6[%get3A_263] {strides = array<i32>} : memref<4112xi32, #tpu.memory_space<vmem>>, vector<16xi32>,
        %mul3A_265 = arith.constant 16 : i32
        %mul3A_266 = arith.muli %scan3A_254, %mul3A_265 : i32
        %get3A_267 = arith.index_cast %mul3A_266 : i32 to index
        %get3A_268 = tpu.vector_load %arg8[%get3A_267] {strides = array<i32>} : memref<4096xf32, #tpu.memory_space<vmem>>, vector<16xf32>,
        %and3A_269 = arith.constant 16383 : i32
        %and3A_270 = vector.broadcast %and3A_269 : i32 to vector<16xi32>
        %and3A_271 = arith.andi %get3A_258, %and3A_270 : vector<16xi32>
        %ne3A_272 = arith.cmpi ne, %get3A_258, %get3A_264 : vector<16xi32>
        tpu.vector_store_idx %arg10[%and3A_271], %get3A_268 masked %ne3A_272 : memref<16384xf32, #tpu.memory_space<vmem>>[vector<16xi32>], vector<16xf32>, vector<16xi1>
        %scan3A_273 = arith.constant 0 : i32
        %scan3A_274 = arith.constant 2 : i32
        %scan3A_275 = arith.addi %scan3A_235, %scan3A_274 : i32
        %mul3A_276 = arith.constant 16 : i32
        %mul3A_277 = arith.muli %scan3A_275, %mul3A_276 : i32
        %get3A_278 = arith.index_cast %mul3A_277 : i32 to index
        %get3A_279 = tpu.vector_load %arg6[%get3A_278] {strides = array<i32>} : memref<4112xi32, #tpu.memory_space<vmem>>, vector<16xi32>,
        %mul3A_280 = arith.constant 16 : i32
        %mul3A_281 = arith.muli %scan3A_275, %mul3A_280 : i32
        %add3A_282 = arith.constant 1 : i32
        %add3A_283 = arith.addi %mul3A_281, %add3A_282 : i32
        %get3A_284 = arith.index_cast %add3A_283 : i32 to index
        %get3A_285 = tpu.vector_load %arg6[%get3A_284] {strides = array<i32>} : memref<4112xi32, #tpu.memory_space<vmem>>, vector<16xi32>,
        %mul3A_286 = arith.constant 16 : i32
        %mul3A_287 = arith.muli %scan3A_275, %mul3A_286 : i32
        %get3A_288 = arith.index_cast %mul3A_287 : i32 to index
        %get3A_289 = tpu.vector_load %arg8[%get3A_288] {strides = array<i32>} : memref<4096xf32, #tpu.memory_space<vmem>>, vector<16xf32>,
        %and3A_290 = arith.constant 16383 : i32
        %and3A_291 = vector.broadcast %and3A_290 : i32 to vector<16xi32>
        %and3A_292 = arith.andi %get3A_279, %and3A_291 : vector<16xi32>
        %ne3A_293 = arith.cmpi ne, %get3A_279, %get3A_285 : vector<16xi32>
        tpu.vector_store_idx %arg10[%and3A_292], %get3A_289 masked %ne3A_293 : memref<16384xf32, #tpu.memory_space<vmem>>[vector<16xi32>], vector<16xf32>, vector<16xi1>
        %scan3A_294 = arith.constant 0 : i32
        %scan3A_295 = arith.constant 3 : i32
        %scan3A_296 = arith.addi %scan3A_235, %scan3A_295 : i32
        %mul3A_297 = arith.constant 16 : i32
        %mul3A_298 = arith.muli %scan3A_296, %mul3A_297 : i32
        %get3A_299 = arith.index_cast %mul3A_298 : i32 to index
        %get3A_300 = tpu.vector_load %arg6[%get3A_299] {strides = array<i32>} : memref<4112xi32, #tpu.memory_space<vmem>>, vector<16xi32>,
        %mul3A_301 = arith.constant 16 : i32
        %mul3A_302 = arith.muli %scan3A_296, %mul3A_301 : i32
        %add3A_303 = arith.constant 1 : i32
        %add3A_304 = arith.addi %mul3A_302, %add3A_303 : i32
        %get3A_305 = arith.index_cast %add3A_304 : i32 to index
        %get3A_306 = tpu.vector_load %arg6[%get3A_305] {strides = array<i32>} : memref<4112xi32, #tpu.memory_space<vmem>>, vector<16xi32>,
        %mul3A_307 = arith.constant 16 : i32
        %mul3A_308 = arith.muli %scan3A_296, %mul3A_307 : i32
        %get3A_309 = arith.index_cast %mul3A_308 : i32 to index
        %get3A_310 = tpu.vector_load %arg8[%get3A_309] {strides = array<i32>} : memref<4096xf32, #tpu.memory_space<vmem>>, vector<16xf32>,
        %and3A_311 = arith.constant 16383 : i32
        %and3A_312 = vector.broadcast %and3A_311 : i32 to vector<16xi32>
        %and3A_313 = arith.andi %get3A_300, %and3A_312 : vector<16xi32>
        %ne3A_314 = arith.cmpi ne, %get3A_300, %get3A_306 : vector<16xi32>
        tpu.vector_store_idx %arg10[%and3A_313], %get3A_310 masked %ne3A_314 : memref<16384xf32, #tpu.memory_space<vmem>>[vector<16xi32>], vector<16xf32>, vector<16xi1>
        %scan3A_315 = arith.constant 0 : i32
        %scan3A_316 = arith.constant 4 : i32
        %scan3A_317 = arith.addi %scan3A_235, %scan3A_316 : i32
        %mul3A_318 = arith.constant 16 : i32
        %mul3A_319 = arith.muli %scan3A_317, %mul3A_318 : i32
        %get3A_320 = arith.index_cast %mul3A_319 : i32 to index
        %get3A_321 = tpu.vector_load %arg6[%get3A_320] {strides = array<i32>} : memref<4112xi32, #tpu.memory_space<vmem>>, vector<16xi32>,
        %mul3A_322 = arith.constant 16 : i32
        %mul3A_323 = arith.muli %scan3A_317, %mul3A_322 : i32
        %add3A_324 = arith.constant 1 : i32
        %add3A_325 = arith.addi %mul3A_323, %add3A_324 : i32
        %get3A_326 = arith.index_cast %add3A_325 : i32 to index
        %get3A_327 = tpu.vector_load %arg6[%get3A_326] {strides = array<i32>} : memref<4112xi32, #tpu.memory_space<vmem>>, vector<16xi32>,
        %mul3A_328 = arith.constant 16 : i32
        %mul3A_329 = arith.muli %scan3A_317, %mul3A_328 : i32
        %get3A_330 = arith.index_cast %mul3A_329 : i32 to index
        %get3A_331 = tpu.vector_load %arg8[%get3A_330] {strides = array<i32>} : memref<4096xf32, #tpu.memory_space<vmem>>, vector<16xf32>,
        %and3A_332 = arith.constant 16383 : i32
        %and3A_333 = vector.broadcast %and3A_332 : i32 to vector<16xi32>
        %and3A_334 = arith.andi %get3A_321, %and3A_333 : vector<16xi32>
        %ne3A_335 = arith.cmpi ne, %get3A_321, %get3A_327 : vector<16xi32>
        tpu.vector_store_idx %arg10[%and3A_334], %get3A_331 masked %ne3A_335 : memref<16384xf32, #tpu.memory_space<vmem>>[vector<16xi32>], vector<16xf32>, vector<16xi1>
        %scan3A_336 = arith.constant 0 : i32
        %scan3A_337 = arith.constant 5 : i32
        %scan3A_338 = arith.addi %scan3A_235, %scan3A_337 : i32
        %mul3A_339 = arith.constant 16 : i32
        %mul3A_340 = arith.muli %scan3A_338, %mul3A_339 : i32
        %get3A_341 = arith.index_cast %mul3A_340 : i32 to index
        %get3A_342 = tpu.vector_load %arg6[%get3A_341] {strides = array<i32>} : memref<4112xi32, #tpu.memory_space<vmem>>, vector<16xi32>,
        %mul3A_343 = arith.constant 16 : i32
        %mul3A_344 = arith.muli %scan3A_338, %mul3A_343 : i32
        %add3A_345 = arith.constant 1 : i32
        %add3A_346 = arith.addi %mul3A_344, %add3A_345 : i32
        %get3A_347 = arith.index_cast %add3A_346 : i32 to index
        %get3A_348 = tpu.vector_load %arg6[%get3A_347] {strides = array<i32>} : memref<4112xi32, #tpu.memory_space<vmem>>, vector<16xi32>,
        %mul3A_349 = arith.constant 16 : i32
        %mul3A_350 = arith.muli %scan3A_338, %mul3A_349 : i32
        %get3A_351 = arith.index_cast %mul3A_350 : i32 to index
        %get3A_352 = tpu.vector_load %arg8[%get3A_351] {strides = array<i32>} : memref<4096xf32, #tpu.memory_space<vmem>>, vector<16xf32>,
        %and3A_353 = arith.constant 16383 : i32
        %and3A_354 = vector.broadcast %and3A_353 : i32 to vector<16xi32>
        %and3A_355 = arith.andi %get3A_342, %and3A_354 : vector<16xi32>
        %ne3A_356 = arith.cmpi ne, %get3A_342, %get3A_348 : vector<16xi32>
        tpu.vector_store_idx %arg10[%and3A_355], %get3A_352 masked %ne3A_356 : memref<16384xf32, #tpu.memory_space<vmem>>[vector<16xi32>], vector<16xf32>, vector<16xi1>
        %scan3A_357 = arith.constant 0 : i32
        %scan3A_358 = arith.constant 6 : i32
        %scan3A_359 = arith.addi %scan3A_235, %scan3A_358 : i32
        %mul3A_360 = arith.constant 16 : i32
        %mul3A_361 = arith.muli %scan3A_359, %mul3A_360 : i32
        %get3A_362 = arith.index_cast %mul3A_361 : i32 to index
        %get3A_363 = tpu.vector_load %arg6[%get3A_362] {strides = array<i32>} : memref<4112xi32, #tpu.memory_space<vmem>>, vector<16xi32>,
        %mul3A_364 = arith.constant 16 : i32
        %mul3A_365 = arith.muli %scan3A_359, %mul3A_364 : i32
        %add3A_366 = arith.constant 1 : i32
        %add3A_367 = arith.addi %mul3A_365, %add3A_366 : i32
        %get3A_368 = arith.index_cast %add3A_367 : i32 to index
        %get3A_369 = tpu.vector_load %arg6[%get3A_368] {strides = array<i32>} : memref<4112xi32, #tpu.memory_space<vmem>>, vector<16xi32>,
        %mul3A_370 = arith.constant 16 : i32
        %mul3A_371 = arith.muli %scan3A_359, %mul3A_370 : i32
        %get3A_372 = arith.index_cast %mul3A_371 : i32 to index
        %get3A_373 = tpu.vector_load %arg8[%get3A_372] {strides = array<i32>} : memref<4096xf32, #tpu.memory_space<vmem>>, vector<16xf32>,
        %and3A_374 = arith.constant 16383 : i32
        %and3A_375 = vector.broadcast %and3A_374 : i32 to vector<16xi32>
        %and3A_376 = arith.andi %get3A_363, %and3A_375 : vector<16xi32>
        %ne3A_377 = arith.cmpi ne, %get3A_363, %get3A_369 : vector<16xi32>
        tpu.vector_store_idx %arg10[%and3A_376], %get3A_373 masked %ne3A_377 : memref<16384xf32, #tpu.memory_space<vmem>>[vector<16xi32>], vector<16xf32>, vector<16xi1>
        %scan3A_378 = arith.constant 0 : i32
        %scan3A_379 = arith.constant 7 : i32
        %scan3A_380 = arith.addi %scan3A_235, %scan3A_379 : i32
        %mul3A_381 = arith.constant 16 : i32
        %mul3A_382 = arith.muli %scan3A_380, %mul3A_381 : i32
        %get3A_383 = arith.index_cast %mul3A_382 : i32 to index
        %get3A_384 = tpu.vector_load %arg6[%get3A_383] {strides = array<i32>} : memref<4112xi32, #tpu.memory_space<vmem>>, vector<16xi32>,
        %mul3A_385 = arith.constant 16 : i32
        %mul3A_386 = arith.muli %scan3A_380, %mul3A_385 : i32
        %add3A_387 = arith.constant 1 : i32
        %add3A_388 = arith.addi %mul3A_386, %add3A_387 : i32
        %get3A_389 = arith.index_cast %add3A_388 : i32 to index
        %get3A_390 = tpu.vector_load %arg6[%get3A_389] {strides = array<i32>} : memref<4112xi32, #tpu.memory_space<vmem>>, vector<16xi32>,
        %mul3A_391 = arith.constant 16 : i32
        %mul3A_392 = arith.muli %scan3A_380, %mul3A_391 : i32
        %get3A_393 = arith.index_cast %mul3A_392 : i32 to index
        %get3A_394 = tpu.vector_load %arg8[%get3A_393] {strides = array<i32>} : memref<4096xf32, #tpu.memory_space<vmem>>, vector<16xf32>,
        %and3A_395 = arith.constant 16383 : i32
        %and3A_396 = vector.broadcast %and3A_395 : i32 to vector<16xi32>
        %and3A_397 = arith.andi %get3A_384, %and3A_396 : vector<16xi32>
        %ne3A_398 = arith.cmpi ne, %get3A_384, %get3A_390 : vector<16xi32>
        tpu.vector_store_idx %arg10[%and3A_397], %get3A_394 masked %ne3A_398 : memref<16384xf32, #tpu.memory_space<vmem>>[vector<16xi32>], vector<16xf32>, vector<16xi1>
        %scan3A_399 = arith.constant 0 : i32
        scf.yield %scan3A_399 : i32
      }
      %scan3A_140 = arith.constant 256 : i32
      %add3A_141 = arith.addi %mul3A_2, %add3A_121 : i32
      %dma_start3A_142 = arith.constant 0 : i32
      %dma_start3A_143 = tpu.memref_slice %arg4[%add3A_141, %dma_start3A_142] : memref<1536x16384xf32, #tpu.memory_space<hbm>> -> memref<1x16384xf32, #tpu.memory_space<hbm>>
      %dma_start3A_144 = tpu.memref_squeeze %dma_start3A_143 : memref<1x16384xf32, #tpu.memory_space<hbm>> -> memref<16384xf32, #tpu.memory_space<hbm>>
      %dma_start3A_145 = arith.constant 0 : i32
      %dma_start3A_146 = tpu.memref_slice %arg4[%add3A_141, %dma_start3A_145] : memref<1536x16384xf32, #tpu.memory_space<hbm>> -> memref<1x16384xf32, #tpu.memory_space<hbm>>
      %dma_start3A_147 = tpu.memref_squeeze %dma_start3A_146 : memref<1x16384xf32, #tpu.memory_space<hbm>> -> memref<16384xf32, #tpu.memory_space<hbm>>
      tpu.enqueue_dma source(%arg10 : memref<16384xf32, #tpu.memory_space<vmem>>) target(%dma_start3A_147 : memref<16384xf32, #tpu.memory_space<hbm>>) target_semaphore(%arg16 : memref<!tpu.dma_semaphore, #tpu.memory_space<semaphore_mem>>)
      %dma_wait3A_148 = arith.constant 0 : i32
      %dma_wait3A_149 = tpu.memref_slice %arg4[%mul3A_2, %dma_wait3A_148] : memref<1536x16384xf32, #tpu.memory_space<hbm>> -> memref<1x16384xf32, #tpu.memory_space<hbm>>
      %dma_wait3A_150 = tpu.memref_squeeze %dma_wait3A_149 : memref<1x16384xf32, #tpu.memory_space<hbm>> -> memref<16384xf32, #tpu.memory_space<hbm>>
      %dma_wait3A_151 = arith.constant 0 : i32
      %dma_wait3A_152 = tpu.memref_slice %arg4[%mul3A_2, %dma_wait3A_151] : memref<1536x16384xf32, #tpu.memory_space<hbm>> -> memref<1x16384xf32, #tpu.memory_space<hbm>>
      %dma_wait3A_153 = tpu.memref_squeeze %dma_wait3A_152 : memref<1x16384xf32, #tpu.memory_space<hbm>> -> memref<16384xf32, #tpu.memory_space<hbm>>
      tpu.wait_dma2 semaphore(%arg15 : memref<!tpu.dma_semaphore, #tpu.memory_space<semaphore_mem>>) src(%arg9 : memref<16384xf32, #tpu.memory_space<vmem>>) dst(%dma_wait3A_153 : memref<16384xf32, #tpu.memory_space<hbm>>)
      %scan3A_154 = arith.constant 0 : i32
      %scan3A_155 = arith.constant 0 : i32
      %scan3A_156 = arith.constant 256 : i32
      %scan3A_157 = arith.addi %scan3A_155, %scan3A_156 : i32
      %scan3A_158 = arith.constant 8 : i32
      %scan3A_159 = scf.for %scan3A_235 = %scan3A_155 to %scan3A_157 step %scan3A_158 iter_args(%scan3A_236 = %scan3A_154) -> (i32)  : i32 {
        %mul3A_237 = arith.constant 16 : i32
        %mul3A_238 = arith.muli %scan3A_235, %mul3A_237 : i32
        %get3A = arith.index_cast %mul3A_238 : i32 to index
        %get3A_239 = tpu.vector_load %arg5[%get3A] {strides = array<i32>} : memref<4112xi32, #tpu.memory_space<vmem>>, vector<16xi32>,
        %and3A = arith.constant 16383 : i32
        %and3A_240 = vector.broadcast %and3A : i32 to vector<16xi32>
        %and3A_241 = arith.andi %get3A_239, %and3A_240 : vector<16xi32>
        tpu.vector_store_idx %arg9[%and3A_241], %broadcast_in_dim3A_3 : memref<16384xf32, #tpu.memory_space<vmem>>[vector<16xi32>], vector<16xf32>,
        %scan3A_242 = arith.constant 0 : i32
        %scan3A_243 = arith.constant 1 : i32
        %scan3A_244 = arith.addi %scan3A_235, %scan3A_243 : i32
        %mul3A_245 = arith.constant 16 : i32
        %mul3A_246 = arith.muli %scan3A_244, %mul3A_245 : i32
        %get3A_247 = arith.index_cast %mul3A_246 : i32 to index
        %get3A_248 = tpu.vector_load %arg5[%get3A_247] {strides = array<i32>} : memref<4112xi32, #tpu.memory_space<vmem>>, vector<16xi32>,
        %and3A_249 = arith.constant 16383 : i32
        %and3A_250 = vector.broadcast %and3A_249 : i32 to vector<16xi32>
        %and3A_251 = arith.andi %get3A_248, %and3A_250 : vector<16xi32>
        tpu.vector_store_idx %arg9[%and3A_251], %broadcast_in_dim3A_3 : memref<16384xf32, #tpu.memory_space<vmem>>[vector<16xi32>], vector<16xf32>,
        %scan3A_252 = arith.constant 0 : i32
        %scan3A_253 = arith.constant 2 : i32
        %scan3A_254 = arith.addi %scan3A_235, %scan3A_253 : i32
        %mul3A_255 = arith.constant 16 : i32
        %mul3A_256 = arith.muli %scan3A_254, %mul3A_255 : i32
        %get3A_257 = arith.index_cast %mul3A_256 : i32 to index
        %get3A_258 = tpu.vector_load %arg5[%get3A_257] {strides = array<i32>} : memref<4112xi32, #tpu.memory_space<vmem>>, vector<16xi32>,
        %and3A_259 = arith.constant 16383 : i32
        %and3A_260 = vector.broadcast %and3A_259 : i32 to vector<16xi32>
        %and3A_261 = arith.andi %get3A_258, %and3A_260 : vector<16xi32>
        tpu.vector_store_idx %arg9[%and3A_261], %broadcast_in_dim3A_3 : memref<16384xf32, #tpu.memory_space<vmem>>[vector<16xi32>], vector<16xf32>,
        %scan3A_262 = arith.constant 0 : i32
        %scan3A_263 = arith.constant 3 : i32
        %scan3A_264 = arith.addi %scan3A_235, %scan3A_263 : i32
        %mul3A_265 = arith.constant 16 : i32
        %mul3A_266 = arith.muli %scan3A_264, %mul3A_265 : i32
        %get3A_267 = arith.index_cast %mul3A_266 : i32 to index
        %get3A_268 = tpu.vector_load %arg5[%get3A_267] {strides = array<i32>} : memref<4112xi32, #tpu.memory_space<vmem>>, vector<16xi32>,
        %and3A_269 = arith.constant 16383 : i32
        %and3A_270 = vector.broadcast %and3A_269 : i32 to vector<16xi32>
        %and3A_271 = arith.andi %get3A_268, %and3A_270 : vector<16xi32>
        tpu.vector_store_idx %arg9[%and3A_271], %broadcast_in_dim3A_3 : memref<16384xf32, #tpu.memory_space<vmem>>[vector<16xi32>], vector<16xf32>,
        %scan3A_272 = arith.constant 0 : i32
        %scan3A_273 = arith.constant 4 : i32
        %scan3A_274 = arith.addi %scan3A_235, %scan3A_273 : i32
        %mul3A_275 = arith.constant 16 : i32
        %mul3A_276 = arith.muli %scan3A_274, %mul3A_275 : i32
        %get3A_277 = arith.index_cast %mul3A_276 : i32 to index
        %get3A_278 = tpu.vector_load %arg5[%get3A_277] {strides = array<i32>} : memref<4112xi32, #tpu.memory_space<vmem>>, vector<16xi32>,
        %and3A_279 = arith.constant 16383 : i32
        %and3A_280 = vector.broadcast %and3A_279 : i32 to vector<16xi32>
        %and3A_281 = arith.andi %get3A_278, %and3A_280 : vector<16xi32>
        tpu.vector_store_idx %arg9[%and3A_281], %broadcast_in_dim3A_3 : memref<16384xf32, #tpu.memory_space<vmem>>[vector<16xi32>], vector<16xf32>,
        %scan3A_282 = arith.constant 0 : i32
        %scan3A_283 = arith.constant 5 : i32
        %scan3A_284 = arith.addi %scan3A_235, %scan3A_283 : i32
        %mul3A_285 = arith.constant 16 : i32
        %mul3A_286 = arith.muli %scan3A_284, %mul3A_285 : i32
        %get3A_287 = arith.index_cast %mul3A_286 : i32 to index
        %get3A_288 = tpu.vector_load %arg5[%get3A_287] {strides = array<i32>} : memref<4112xi32, #tpu.memory_space<vmem>>, vector<16xi32>,
        %and3A_289 = arith.constant 16383 : i32
        %and3A_290 = vector.broadcast %and3A_289 : i32 to vector<16xi32>
        %and3A_291 = arith.andi %get3A_288, %and3A_290 : vector<16xi32>
        tpu.vector_store_idx %arg9[%and3A_291], %broadcast_in_dim3A_3 : memref<16384xf32, #tpu.memory_space<vmem>>[vector<16xi32>], vector<16xf32>,
        %scan3A_292 = arith.constant 0 : i32
        %scan3A_293 = arith.constant 6 : i32
        %scan3A_294 = arith.addi %scan3A_235, %scan3A_293 : i32
        %mul3A_295 = arith.constant 16 : i32
        %mul3A_296 = arith.muli %scan3A_294, %mul3A_295 : i32
        %get3A_297 = arith.index_cast %mul3A_296 : i32 to index
        %get3A_298 = tpu.vector_load %arg5[%get3A_297] {strides = array<i32>} : memref<4112xi32, #tpu.memory_space<vmem>>, vector<16xi32>,
        %and3A_299 = arith.constant 16383 : i32
        %and3A_300 = vector.broadcast %and3A_299 : i32 to vector<16xi32>
        %and3A_301 = arith.andi %get3A_298, %and3A_300 : vector<16xi32>
        tpu.vector_store_idx %arg9[%and3A_301], %broadcast_in_dim3A_3 : memref<16384xf32, #tpu.memory_space<vmem>>[vector<16xi32>], vector<16xf32>,
        %scan3A_302 = arith.constant 0 : i32
        %scan3A_303 = arith.constant 7 : i32
        %scan3A_304 = arith.addi %scan3A_235, %scan3A_303 : i32
        %mul3A_305 = arith.constant 16 : i32
        %mul3A_306 = arith.muli %scan3A_304, %mul3A_305 : i32
        %get3A_307 = arith.index_cast %mul3A_306 : i32 to index
        %get3A_308 = tpu.vector_load %arg5[%get3A_307] {strides = array<i32>} : memref<4112xi32, #tpu.memory_space<vmem>>, vector<16xi32>,
        %and3A_309 = arith.constant 16383 : i32
        %and3A_310 = vector.broadcast %and3A_309 : i32 to vector<16xi32>
        %and3A_311 = arith.andi %get3A_308, %and3A_310 : vector<16xi32>
        tpu.vector_store_idx %arg9[%and3A_311], %broadcast_in_dim3A_3 : memref<16384xf32, #tpu.memory_space<vmem>>[vector<16xi32>], vector<16xf32>,
        %scan3A_312 = arith.constant 0 : i32
        scf.yield %scan3A_312 : i32
      }
      %scan3A_160 = arith.constant 256 : i32
      %add3A_161 = arith.constant 1 : i32
      %add3A_162 = arith.addi %add3A_121, %add3A_161 : i32
      %add3A_163 = arith.addi %mul3A_2, %add3A_162 : i32
      %mul3A_164 = arith.constant 4096 : i32
      %mul3A_165 = arith.muli %add3A_163, %mul3A_164 : i32
      %dma_start3A_166 = arith.constant 0 : i32
      %dma_start3A_167 = tpu.memref_slice %arg5[%dma_start3A_166] : memref<4112xi32, #tpu.memory_space<vmem>> -> memref<4096xi32, #tpu.memory_space<vmem>>
      %dma_start3A_168 = tpu.memref_slice %arg2[%mul3A_165] : memref<6291456xi32, #tpu.memory_space<hbm>> -> memref<4096xi32, #tpu.memory_space<hbm>>
      %dma_start3A_169 = arith.constant 0 : i32
      %dma_start3A_170 = tpu.memref_slice %arg5[%dma_start3A_169] : memref<4112xi32, #tpu.memory_space<vmem>> -> memref<4096xi32, #tpu.memory_space<vmem>>
      %dma_start3A_171 = tpu.memref_slice %arg2[%mul3A_165] : memref<6291456xi32, #tpu.memory_space<hbm>> -> memref<4096xi32, #tpu.memory_space<hbm>>
      tpu.enqueue_dma source(%dma_start3A_171 : memref<4096xi32, #tpu.memory_space<hbm>>) target(%dma_start3A_170 : memref<4096xi32, #tpu.memory_space<vmem>>) target_semaphore(%arg11 : memref<!tpu.dma_semaphore, #tpu.memory_space<semaphore_mem>>)
      %mul3A_172 = arith.constant 4096 : i32
      %mul3A_173 = arith.muli %add3A_163, %mul3A_172 : i32
      %dma_start3A_174 = tpu.memref_slice %arg3[%mul3A_173] : memref<6291456xf32, #tpu.memory_space<hbm>> -> memref<4096xf32, #tpu.memory_space<hbm>>
      %dma_start3A_175 = tpu.memref_slice %arg3[%mul3A_173] : memref<6291456xf32, #tpu.memory_space<hbm>> -> memref<4096xf32, #tpu.memory_space<hbm>>
      tpu.enqueue_dma source(%dma_start3A_175 : memref<4096xf32, #tpu.memory_space<hbm>>) target(%arg7 : memref<4096xf32, #tpu.memory_space<vmem>>) target_semaphore(%arg13 : memref<!tpu.dma_semaphore, #tpu.memory_space<semaphore_mem>>)
      %mul3A_176 = arith.constant 2 : i32
      %mul3A_177 = arith.muli %mul3A_176, %scan3A_116 : i32
      %add3A_178 = arith.constant 2 : i32
      %add3A_179 = arith.addi %mul3A_177, %add3A_178 : i32
      %dma_wait3A_180 = arith.constant 0 : i32
      %dma_wait3A_181 = tpu.memref_slice %arg5[%dma_wait3A_180] : memref<4112xi32, #tpu.memory_space<vmem>> -> memref<4096xi32, #tpu.memory_space<vmem>>
      %dma_wait3A_182 = arith.constant 0 : i32
      %dma_wait3A_183 = tpu.memref_slice %arg2[%dma_wait3A_182] : memref<6291456xi32, #tpu.memory_space<hbm>> -> memref<4096xi32, #tpu.memory_space<hbm>>
      %dma_wait3A_184 = arith.constant 0 : i32
      %dma_wait3A_185 = tpu.memref_slice %arg5[%dma_wait3A_184] : memref<4112xi32, #tpu.memory_space<vmem>> -> memref<4096xi32, #tpu.memory_space<vmem>>
      %dma_wait3A_186 = arith.constant 0 : i32
      %dma_wait3A_187 = tpu.memref_slice %arg2[%dma_wait3A_186] : memref<6291456xi32, #tpu.memory_space<hbm>> -> memref<4096xi32, #tpu.memory_space<hbm>>
      tpu.wait_dma2 semaphore(%arg11 : memref<!tpu.dma_semaphore, #tpu.memory_space<semaphore_mem>>) src(%dma_wait3A_187 : memref<4096xi32, #tpu.memory_space<hbm>>) dst(%dma_wait3A_185 : memref<4096xi32, #tpu.memory_space<vmem>>)
      %dma_wait3A_188 = arith.constant 0 : i32
      %dma_wait3A_189 = tpu.memref_slice %arg3[%dma_wait3A_188] : memref<6291456xf32, #tpu.memory_space<hbm>> -> memref<4096xf32, #tpu.memory_space<hbm>>
      %dma_wait3A_190 = arith.constant 0 : i32
      %dma_wait3A_191 = tpu.memref_slice %arg3[%dma_wait3A_190] : memref<6291456xf32, #tpu.memory_space<hbm>> -> memref<4096xf32, #tpu.memory_space<hbm>>
      tpu.wait_dma2 semaphore(%arg13 : memref<!tpu.dma_semaphore, #tpu.memory_space<semaphore_mem>>) src(%dma_wait3A_191 : memref<4096xf32, #tpu.memory_space<hbm>>) dst(%arg7 : memref<4096xf32, #tpu.memory_space<vmem>>)
      %scan3A_192 = arith.constant 0 : i32
      %scan3A_193 = arith.constant 0 : i32
      %scan3A_194 = arith.constant 256 : i32
      %scan3A_195 = arith.addi %scan3A_193, %scan3A_194 : i32
      %scan3A_196 = arith.constant 8 : i32
      %scan3A_197 = scf.for %scan3A_235 = %scan3A_193 to %scan3A_195 step %scan3A_196 iter_args(%scan3A_236 = %scan3A_192) -> (i32)  : i32 {
        %mul3A_237 = arith.constant 16 : i32
        %mul3A_238 = arith.muli %scan3A_235, %mul3A_237 : i32
        %get3A = arith.index_cast %mul3A_238 : i32 to index
        %get3A_239 = tpu.vector_load %arg5[%get3A] {strides = array<i32>} : memref<4112xi32, #tpu.memory_space<vmem>>, vector<16xi32>,
        %mul3A_240 = arith.constant 16 : i32
        %mul3A_241 = arith.muli %scan3A_235, %mul3A_240 : i32
        %add3A_242 = arith.constant 1 : i32
        %add3A_243 = arith.addi %mul3A_241, %add3A_242 : i32
        %get3A_244 = arith.index_cast %add3A_243 : i32 to index
        %get3A_245 = tpu.vector_load %arg5[%get3A_244] {strides = array<i32>} : memref<4112xi32, #tpu.memory_space<vmem>>, vector<16xi32>,
        %mul3A_246 = arith.constant 16 : i32
        %mul3A_247 = arith.muli %scan3A_235, %mul3A_246 : i32
        %get3A_248 = arith.index_cast %mul3A_247 : i32 to index
        %get3A_249 = tpu.vector_load %arg7[%get3A_248] {strides = array<i32>} : memref<4096xf32, #tpu.memory_space<vmem>>, vector<16xf32>,
        %and3A = arith.constant 16383 : i32
        %and3A_250 = vector.broadcast %and3A : i32 to vector<16xi32>
        %and3A_251 = arith.andi %get3A_239, %and3A_250 : vector<16xi32>
        %ne3A = arith.cmpi ne, %get3A_239, %get3A_245 : vector<16xi32>
        tpu.vector_store_idx %arg9[%and3A_251], %get3A_249 masked %ne3A : memref<16384xf32, #tpu.memory_space<vmem>>[vector<16xi32>], vector<16xf32>, vector<16xi1>
        %scan3A_252 = arith.constant 0 : i32
        %scan3A_253 = arith.constant 1 : i32
        %scan3A_254 = arith.addi %scan3A_235, %scan3A_253 : i32
        %mul3A_255 = arith.constant 16 : i32
        %mul3A_256 = arith.muli %scan3A_254, %mul3A_255 : i32
        %get3A_257 = arith.index_cast %mul3A_256 : i32 to index
        %get3A_258 = tpu.vector_load %arg5[%get3A_257] {strides = array<i32>} : memref<4112xi32, #tpu.memory_space<vmem>>, vector<16xi32>,
        %mul3A_259 = arith.constant 16 : i32
        %mul3A_260 = arith.muli %scan3A_254, %mul3A_259 : i32
        %add3A_261 = arith.constant 1 : i32
        %add3A_262 = arith.addi %mul3A_260, %add3A_261 : i32
        %get3A_263 = arith.index_cast %add3A_262 : i32 to index
        %get3A_264 = tpu.vector_load %arg5[%get3A_263] {strides = array<i32>} : memref<4112xi32, #tpu.memory_space<vmem>>, vector<16xi32>,
        %mul3A_265 = arith.constant 16 : i32
        %mul3A_266 = arith.muli %scan3A_254, %mul3A_265 : i32
        %get3A_267 = arith.index_cast %mul3A_266 : i32 to index
        %get3A_268 = tpu.vector_load %arg7[%get3A_267] {strides = array<i32>} : memref<4096xf32, #tpu.memory_space<vmem>>, vector<16xf32>,
        %and3A_269 = arith.constant 16383 : i32
        %and3A_270 = vector.broadcast %and3A_269 : i32 to vector<16xi32>
        %and3A_271 = arith.andi %get3A_258, %and3A_270 : vector<16xi32>
        %ne3A_272 = arith.cmpi ne, %get3A_258, %get3A_264 : vector<16xi32>
        tpu.vector_store_idx %arg9[%and3A_271], %get3A_268 masked %ne3A_272 : memref<16384xf32, #tpu.memory_space<vmem>>[vector<16xi32>], vector<16xf32>, vector<16xi1>
        %scan3A_273 = arith.constant 0 : i32
        %scan3A_274 = arith.constant 2 : i32
        %scan3A_275 = arith.addi %scan3A_235, %scan3A_274 : i32
        %mul3A_276 = arith.constant 16 : i32
        %mul3A_277 = arith.muli %scan3A_275, %mul3A_276 : i32
        %get3A_278 = arith.index_cast %mul3A_277 : i32 to index
        %get3A_279 = tpu.vector_load %arg5[%get3A_278] {strides = array<i32>} : memref<4112xi32, #tpu.memory_space<vmem>>, vector<16xi32>,
        %mul3A_280 = arith.constant 16 : i32
        %mul3A_281 = arith.muli %scan3A_275, %mul3A_280 : i32
        %add3A_282 = arith.constant 1 : i32
        %add3A_283 = arith.addi %mul3A_281, %add3A_282 : i32
        %get3A_284 = arith.index_cast %add3A_283 : i32 to index
        %get3A_285 = tpu.vector_load %arg5[%get3A_284] {strides = array<i32>} : memref<4112xi32, #tpu.memory_space<vmem>>, vector<16xi32>,
        %mul3A_286 = arith.constant 16 : i32
        %mul3A_287 = arith.muli %scan3A_275, %mul3A_286 : i32
        %get3A_288 = arith.index_cast %mul3A_287 : i32 to index
        %get3A_289 = tpu.vector_load %arg7[%get3A_288] {strides = array<i32>} : memref<4096xf32, #tpu.memory_space<vmem>>, vector<16xf32>,
        %and3A_290 = arith.constant 16383 : i32
        %and3A_291 = vector.broadcast %and3A_290 : i32 to vector<16xi32>
        %and3A_292 = arith.andi %get3A_279, %and3A_291 : vector<16xi32>
        %ne3A_293 = arith.cmpi ne, %get3A_279, %get3A_285 : vector<16xi32>
        tpu.vector_store_idx %arg9[%and3A_292], %get3A_289 masked %ne3A_293 : memref<16384xf32, #tpu.memory_space<vmem>>[vector<16xi32>], vector<16xf32>, vector<16xi1>
        %scan3A_294 = arith.constant 0 : i32
        %scan3A_295 = arith.constant 3 : i32
        %scan3A_296 = arith.addi %scan3A_235, %scan3A_295 : i32
        %mul3A_297 = arith.constant 16 : i32
        %mul3A_298 = arith.muli %scan3A_296, %mul3A_297 : i32
        %get3A_299 = arith.index_cast %mul3A_298 : i32 to index
        %get3A_300 = tpu.vector_load %arg5[%get3A_299] {strides = array<i32>} : memref<4112xi32, #tpu.memory_space<vmem>>, vector<16xi32>,
        %mul3A_301 = arith.constant 16 : i32
        %mul3A_302 = arith.muli %scan3A_296, %mul3A_301 : i32
        %add3A_303 = arith.constant 1 : i32
        %add3A_304 = arith.addi %mul3A_302, %add3A_303 : i32
        %get3A_305 = arith.index_cast %add3A_304 : i32 to index
        %get3A_306 = tpu.vector_load %arg5[%get3A_305] {strides = array<i32>} : memref<4112xi32, #tpu.memory_space<vmem>>, vector<16xi32>,
        %mul3A_307 = arith.constant 16 : i32
        %mul3A_308 = arith.muli %scan3A_296, %mul3A_307 : i32
        %get3A_309 = arith.index_cast %mul3A_308 : i32 to index
        %get3A_310 = tpu.vector_load %arg7[%get3A_309] {strides = array<i32>} : memref<4096xf32, #tpu.memory_space<vmem>>, vector<16xf32>,
        %and3A_311 = arith.constant 16383 : i32
        %and3A_312 = vector.broadcast %and3A_311 : i32 to vector<16xi32>
        %and3A_313 = arith.andi %get3A_300, %and3A_312 : vector<16xi32>
        %ne3A_314 = arith.cmpi ne, %get3A_300, %get3A_306 : vector<16xi32>
        tpu.vector_store_idx %arg9[%and3A_313], %get3A_310 masked %ne3A_314 : memref<16384xf32, #tpu.memory_space<vmem>>[vector<16xi32>], vector<16xf32>, vector<16xi1>
        %scan3A_315 = arith.constant 0 : i32
        %scan3A_316 = arith.constant 4 : i32
        %scan3A_317 = arith.addi %scan3A_235, %scan3A_316 : i32
        %mul3A_318 = arith.constant 16 : i32
        %mul3A_319 = arith.muli %scan3A_317, %mul3A_318 : i32
        %get3A_320 = arith.index_cast %mul3A_319 : i32 to index
        %get3A_321 = tpu.vector_load %arg5[%get3A_320] {strides = array<i32>} : memref<4112xi32, #tpu.memory_space<vmem>>, vector<16xi32>,
        %mul3A_322 = arith.constant 16 : i32
        %mul3A_323 = arith.muli %scan3A_317, %mul3A_322 : i32
        %add3A_324 = arith.constant 1 : i32
        %add3A_325 = arith.addi %mul3A_323, %add3A_324 : i32
        %get3A_326 = arith.index_cast %add3A_325 : i32 to index
        %get3A_327 = tpu.vector_load %arg5[%get3A_326] {strides = array<i32>} : memref<4112xi32, #tpu.memory_space<vmem>>, vector<16xi32>,
        %mul3A_328 = arith.constant 16 : i32
        %mul3A_329 = arith.muli %scan3A_317, %mul3A_328 : i32
        %get3A_330 = arith.index_cast %mul3A_329 : i32 to index
        %get3A_331 = tpu.vector_load %arg7[%get3A_330] {strides = array<i32>} : memref<4096xf32, #tpu.memory_space<vmem>>, vector<16xf32>,
        %and3A_332 = arith.constant 16383 : i32
        %and3A_333 = vector.broadcast %and3A_332 : i32 to vector<16xi32>
        %and3A_334 = arith.andi %get3A_321, %and3A_333 : vector<16xi32>
        %ne3A_335 = arith.cmpi ne, %get3A_321, %get3A_327 : vector<16xi32>
        tpu.vector_store_idx %arg9[%and3A_334], %get3A_331 masked %ne3A_335 : memref<16384xf32, #tpu.memory_space<vmem>>[vector<16xi32>], vector<16xf32>, vector<16xi1>
        %scan3A_336 = arith.constant 0 : i32
        %scan3A_337 = arith.constant 5 : i32
        %scan3A_338 = arith.addi %scan3A_235, %scan3A_337 : i32
        %mul3A_339 = arith.constant 16 : i32
        %mul3A_340 = arith.muli %scan3A_338, %mul3A_339 : i32
        %get3A_341 = arith.index_cast %mul3A_340 : i32 to index
        %get3A_342 = tpu.vector_load %arg5[%get3A_341] {strides = array<i32>} : memref<4112xi32, #tpu.memory_space<vmem>>, vector<16xi32>,
        %mul3A_343 = arith.constant 16 : i32
        %mul3A_344 = arith.muli %scan3A_338, %mul3A_343 : i32
        %add3A_345 = arith.constant 1 : i32
        %add3A_346 = arith.addi %mul3A_344, %add3A_345 : i32
        %get3A_347 = arith.index_cast %add3A_346 : i32 to index
        %get3A_348 = tpu.vector_load %arg5[%get3A_347] {strides = array<i32>} : memref<4112xi32, #tpu.memory_space<vmem>>, vector<16xi32>,
        %mul3A_349 = arith.constant 16 : i32
        %mul3A_350 = arith.muli %scan3A_338, %mul3A_349 : i32
        %get3A_351 = arith.index_cast %mul3A_350 : i32 to index
        %get3A_352 = tpu.vector_load %arg7[%get3A_351] {strides = array<i32>} : memref<4096xf32, #tpu.memory_space<vmem>>, vector<16xf32>,
        %and3A_353 = arith.constant 16383 : i32
        %and3A_354 = vector.broadcast %and3A_353 : i32 to vector<16xi32>
        %and3A_355 = arith.andi %get3A_342, %and3A_354 : vector<16xi32>
        %ne3A_356 = arith.cmpi ne, %get3A_342, %get3A_348 : vector<16xi32>
        tpu.vector_store_idx %arg9[%and3A_355], %get3A_352 masked %ne3A_356 : memref<16384xf32, #tpu.memory_space<vmem>>[vector<16xi32>], vector<16xf32>, vector<16xi1>
        %scan3A_357 = arith.constant 0 : i32
        %scan3A_358 = arith.constant 6 : i32
        %scan3A_359 = arith.addi %scan3A_235, %scan3A_358 : i32
        %mul3A_360 = arith.constant 16 : i32
        %mul3A_361 = arith.muli %scan3A_359, %mul3A_360 : i32
        %get3A_362 = arith.index_cast %mul3A_361 : i32 to index
        %get3A_363 = tpu.vector_load %arg5[%get3A_362] {strides = array<i32>} : memref<4112xi32, #tpu.memory_space<vmem>>, vector<16xi32>,
        %mul3A_364 = arith.constant 16 : i32
        %mul3A_365 = arith.muli %scan3A_359, %mul3A_364 : i32
        %add3A_366 = arith.constant 1 : i32
        %add3A_367 = arith.addi %mul3A_365, %add3A_366 : i32
        %get3A_368 = arith.index_cast %add3A_367 : i32 to index
        %get3A_369 = tpu.vector_load %arg5[%get3A_368] {strides = array<i32>} : memref<4112xi32, #tpu.memory_space<vmem>>, vector<16xi32>,
        %mul3A_370 = arith.constant 16 : i32
        %mul3A_371 = arith.muli %scan3A_359, %mul3A_370 : i32
        %get3A_372 = arith.index_cast %mul3A_371 : i32 to index
        %get3A_373 = tpu.vector_load %arg7[%get3A_372] {strides = array<i32>} : memref<4096xf32, #tpu.memory_space<vmem>>, vector<16xf32>,
        %and3A_374 = arith.constant 16383 : i32
        %and3A_375 = vector.broadcast %and3A_374 : i32 to vector<16xi32>
        %and3A_376 = arith.andi %get3A_363, %and3A_375 : vector<16xi32>
        %ne3A_377 = arith.cmpi ne, %get3A_363, %get3A_369 : vector<16xi32>
        tpu.vector_store_idx %arg9[%and3A_376], %get3A_373 masked %ne3A_377 : memref<16384xf32, #tpu.memory_space<vmem>>[vector<16xi32>], vector<16xf32>, vector<16xi1>
        %scan3A_378 = arith.constant 0 : i32
        %scan3A_379 = arith.constant 7 : i32
        %scan3A_380 = arith.addi %scan3A_235, %scan3A_379 : i32
        %mul3A_381 = arith.constant 16 : i32
        %mul3A_382 = arith.muli %scan3A_380, %mul3A_381 : i32
        %get3A_383 = arith.index_cast %mul3A_382 : i32 to index
        %get3A_384 = tpu.vector_load %arg5[%get3A_383] {strides = array<i32>} : memref<4112xi32, #tpu.memory_space<vmem>>, vector<16xi32>,
        %mul3A_385 = arith.constant 16 : i32
        %mul3A_386 = arith.muli %scan3A_380, %mul3A_385 : i32
        %add3A_387 = arith.constant 1 : i32
        %add3A_388 = arith.addi %mul3A_386, %add3A_387 : i32
        %get3A_389 = arith.index_cast %add3A_388 : i32 to index
        %get3A_390 = tpu.vector_load %arg5[%get3A_389] {strides = array<i32>} : memref<4112xi32, #tpu.memory_space<vmem>>, vector<16xi32>,
        %mul3A_391 = arith.constant 16 : i32
        %mul3A_392 = arith.muli %scan3A_380, %mul3A_391 : i32
        %get3A_393 = arith.index_cast %mul3A_392 : i32 to index
        %get3A_394 = tpu.vector_load %arg7[%get3A_393] {strides = array<i32>} : memref<4096xf32, #tpu.memory_space<vmem>>, vector<16xf32>,
        %and3A_395 = arith.constant 16383 : i32
        %and3A_396 = vector.broadcast %and3A_395 : i32 to vector<16xi32>
        %and3A_397 = arith.andi %get3A_384, %and3A_396 : vector<16xi32>
        %ne3A_398 = arith.cmpi ne, %get3A_384, %get3A_390 : vector<16xi32>
        tpu.vector_store_idx %arg9[%and3A_397], %get3A_394 masked %ne3A_398 : memref<16384xf32, #tpu.memory_space<vmem>>[vector<16xi32>], vector<16xf32>, vector<16xi1>
        %scan3A_399 = arith.constant 0 : i32
        scf.yield %scan3A_399 : i32
      }
      %scan3A_198 = arith.constant 256 : i32
      %add3A_199 = arith.addi %mul3A_2, %add3A_179 : i32
      %dma_start3A_200 = arith.constant 0 : i32
      %dma_start3A_201 = tpu.memref_slice %arg4[%add3A_199, %dma_start3A_200] : memref<1536x16384xf32, #tpu.memory_space<hbm>> -> memref<1x16384xf32, #tpu.memory_space<hbm>>
      %dma_start3A_202 = tpu.memref_squeeze %dma_start3A_201 : memref<1x16384xf32, #tpu.memory_space<hbm>> -> memref<16384xf32, #tpu.memory_space<hbm>>
      %dma_start3A_203 = arith.constant 0 : i32
      %dma_start3A_204 = tpu.memref_slice %arg4[%add3A_199, %dma_start3A_203] : memref<1536x16384xf32, #tpu.memory_space<hbm>> -> memref<1x16384xf32, #tpu.memory_space<hbm>>
      %dma_start3A_205 = tpu.memref_squeeze %dma_start3A_204 : memref<1x16384xf32, #tpu.memory_space<hbm>> -> memref<16384xf32, #tpu.memory_space<hbm>>
      tpu.enqueue_dma source(%arg9 : memref<16384xf32, #tpu.memory_space<vmem>>) target(%dma_start3A_205 : memref<16384xf32, #tpu.memory_space<hbm>>) target_semaphore(%arg15 : memref<!tpu.dma_semaphore, #tpu.memory_space<semaphore_mem>>)
      %dma_wait3A_206 = arith.constant 0 : i32
      %dma_wait3A_207 = tpu.memref_slice %arg4[%mul3A_2, %dma_wait3A_206] : memref<1536x16384xf32, #tpu.memory_space<hbm>> -> memref<1x16384xf32, #tpu.memory_space<hbm>>
      %dma_wait3A_208 = tpu.memref_squeeze %dma_wait3A_207 : memref<1x16384xf32, #tpu.memory_space<hbm>> -> memref<16384xf32, #tpu.memory_space<hbm>>
      %dma_wait3A_209 = arith.constant 0 : i32
      %dma_wait3A_210 = tpu.memref_slice %arg4[%mul3A_2, %dma_wait3A_209] : memref<1536x16384xf32, #tpu.memory_space<hbm>> -> memref<1x16384xf32, #tpu.memory_space<hbm>>
      %dma_wait3A_211 = tpu.memref_squeeze %dma_wait3A_210 : memref<1x16384xf32, #tpu.memory_space<hbm>> -> memref<16384xf32, #tpu.memory_space<hbm>>
      tpu.wait_dma2 semaphore(%arg16 : memref<!tpu.dma_semaphore, #tpu.memory_space<semaphore_mem>>) src(%arg10 : memref<16384xf32, #tpu.memory_space<vmem>>) dst(%dma_wait3A_211 : memref<16384xf32, #tpu.memory_space<hbm>>)
      %scan3A_212 = arith.constant 0 : i32
      %scan3A_213 = arith.constant 0 : i32
      %scan3A_214 = arith.constant 256 : i32
      %scan3A_215 = arith.addi %scan3A_213, %scan3A_214 : i32
      %scan3A_216 = arith.constant 8 : i32
      %scan3A_217 = scf.for %scan3A_235 = %scan3A_213 to %scan3A_215 step %scan3A_216 iter_args(%scan3A_236 = %scan3A_212) -> (i32)  : i32 {
        %mul3A_237 = arith.constant 16 : i32
        %mul3A_238 = arith.muli %scan3A_235, %mul3A_237 : i32
        %get3A = arith.index_cast %mul3A_238 : i32 to index
        %get3A_239 = tpu.vector_load %arg6[%get3A] {strides = array<i32>} : memref<4112xi32, #tpu.memory_space<vmem>>, vector<16xi32>,
        %and3A = arith.constant 16383 : i32
        %and3A_240 = vector.broadcast %and3A : i32 to vector<16xi32>
        %and3A_241 = arith.andi %get3A_239, %and3A_240 : vector<16xi32>
        tpu.vector_store_idx %arg10[%and3A_241], %broadcast_in_dim3A_3 : memref<16384xf32, #tpu.memory_space<vmem>>[vector<16xi32>], vector<16xf32>,
        %scan3A_242 = arith.constant 0 : i32
        %scan3A_243 = arith.constant 1 : i32
        %scan3A_244 = arith.addi %scan3A_235, %scan3A_243 : i32
        %mul3A_245 = arith.constant 16 : i32
        %mul3A_246 = arith.muli %scan3A_244, %mul3A_245 : i32
        %get3A_247 = arith.index_cast %mul3A_246 : i32 to index
        %get3A_248 = tpu.vector_load %arg6[%get3A_247] {strides = array<i32>} : memref<4112xi32, #tpu.memory_space<vmem>>, vector<16xi32>,
        %and3A_249 = arith.constant 16383 : i32
        %and3A_250 = vector.broadcast %and3A_249 : i32 to vector<16xi32>
        %and3A_251 = arith.andi %get3A_248, %and3A_250 : vector<16xi32>
        tpu.vector_store_idx %arg10[%and3A_251], %broadcast_in_dim3A_3 : memref<16384xf32, #tpu.memory_space<vmem>>[vector<16xi32>], vector<16xf32>,
        %scan3A_252 = arith.constant 0 : i32
        %scan3A_253 = arith.constant 2 : i32
        %scan3A_254 = arith.addi %scan3A_235, %scan3A_253 : i32
        %mul3A_255 = arith.constant 16 : i32
        %mul3A_256 = arith.muli %scan3A_254, %mul3A_255 : i32
        %get3A_257 = arith.index_cast %mul3A_256 : i32 to index
        %get3A_258 = tpu.vector_load %arg6[%get3A_257] {strides = array<i32>} : memref<4112xi32, #tpu.memory_space<vmem>>, vector<16xi32>,
        %and3A_259 = arith.constant 16383 : i32
        %and3A_260 = vector.broadcast %and3A_259 : i32 to vector<16xi32>
        %and3A_261 = arith.andi %get3A_258, %and3A_260 : vector<16xi32>
        tpu.vector_store_idx %arg10[%and3A_261], %broadcast_in_dim3A_3 : memref<16384xf32, #tpu.memory_space<vmem>>[vector<16xi32>], vector<16xf32>,
        %scan3A_262 = arith.constant 0 : i32
        %scan3A_263 = arith.constant 3 : i32
        %scan3A_264 = arith.addi %scan3A_235, %scan3A_263 : i32
        %mul3A_265 = arith.constant 16 : i32
        %mul3A_266 = arith.muli %scan3A_264, %mul3A_265 : i32
        %get3A_267 = arith.index_cast %mul3A_266 : i32 to index
        %get3A_268 = tpu.vector_load %arg6[%get3A_267] {strides = array<i32>} : memref<4112xi32, #tpu.memory_space<vmem>>, vector<16xi32>,
        %and3A_269 = arith.constant 16383 : i32
        %and3A_270 = vector.broadcast %and3A_269 : i32 to vector<16xi32>
        %and3A_271 = arith.andi %get3A_268, %and3A_270 : vector<16xi32>
        tpu.vector_store_idx %arg10[%and3A_271], %broadcast_in_dim3A_3 : memref<16384xf32, #tpu.memory_space<vmem>>[vector<16xi32>], vector<16xf32>,
        %scan3A_272 = arith.constant 0 : i32
        %scan3A_273 = arith.constant 4 : i32
        %scan3A_274 = arith.addi %scan3A_235, %scan3A_273 : i32
        %mul3A_275 = arith.constant 16 : i32
        %mul3A_276 = arith.muli %scan3A_274, %mul3A_275 : i32
        %get3A_277 = arith.index_cast %mul3A_276 : i32 to index
        %get3A_278 = tpu.vector_load %arg6[%get3A_277] {strides = array<i32>} : memref<4112xi32, #tpu.memory_space<vmem>>, vector<16xi32>,
        %and3A_279 = arith.constant 16383 : i32
        %and3A_280 = vector.broadcast %and3A_279 : i32 to vector<16xi32>
        %and3A_281 = arith.andi %get3A_278, %and3A_280 : vector<16xi32>
        tpu.vector_store_idx %arg10[%and3A_281], %broadcast_in_dim3A_3 : memref<16384xf32, #tpu.memory_space<vmem>>[vector<16xi32>], vector<16xf32>,
        %scan3A_282 = arith.constant 0 : i32
        %scan3A_283 = arith.constant 5 : i32
        %scan3A_284 = arith.addi %scan3A_235, %scan3A_283 : i32
        %mul3A_285 = arith.constant 16 : i32
        %mul3A_286 = arith.muli %scan3A_284, %mul3A_285 : i32
        %get3A_287 = arith.index_cast %mul3A_286 : i32 to index
        %get3A_288 = tpu.vector_load %arg6[%get3A_287] {strides = array<i32>} : memref<4112xi32, #tpu.memory_space<vmem>>, vector<16xi32>,
        %and3A_289 = arith.constant 16383 : i32
        %and3A_290 = vector.broadcast %and3A_289 : i32 to vector<16xi32>
        %and3A_291 = arith.andi %get3A_288, %and3A_290 : vector<16xi32>
        tpu.vector_store_idx %arg10[%and3A_291], %broadcast_in_dim3A_3 : memref<16384xf32, #tpu.memory_space<vmem>>[vector<16xi32>], vector<16xf32>,
        %scan3A_292 = arith.constant 0 : i32
        %scan3A_293 = arith.constant 6 : i32
        %scan3A_294 = arith.addi %scan3A_235, %scan3A_293 : i32
        %mul3A_295 = arith.constant 16 : i32
        %mul3A_296 = arith.muli %scan3A_294, %mul3A_295 : i32
        %get3A_297 = arith.index_cast %mul3A_296 : i32 to index
        %get3A_298 = tpu.vector_load %arg6[%get3A_297] {strides = array<i32>} : memref<4112xi32, #tpu.memory_space<vmem>>, vector<16xi32>,
        %and3A_299 = arith.constant 16383 : i32
        %and3A_300 = vector.broadcast %and3A_299 : i32 to vector<16xi32>
        %and3A_301 = arith.andi %get3A_298, %and3A_300 : vector<16xi32>
        tpu.vector_store_idx %arg10[%and3A_301], %broadcast_in_dim3A_3 : memref<16384xf32, #tpu.memory_space<vmem>>[vector<16xi32>], vector<16xf32>,
        %scan3A_302 = arith.constant 0 : i32
        %scan3A_303 = arith.constant 7 : i32
        %scan3A_304 = arith.addi %scan3A_235, %scan3A_303 : i32
        %mul3A_305 = arith.constant 16 : i32
        %mul3A_306 = arith.muli %scan3A_304, %mul3A_305 : i32
        %get3A_307 = arith.index_cast %mul3A_306 : i32 to index
        %get3A_308 = tpu.vector_load %arg6[%get3A_307] {strides = array<i32>} : memref<4112xi32, #tpu.memory_space<vmem>>, vector<16xi32>,
        %and3A_309 = arith.constant 16383 : i32
        %and3A_310 = vector.broadcast %and3A_309 : i32 to vector<16xi32>
        %and3A_311 = arith.andi %get3A_308, %and3A_310 : vector<16xi32>
        tpu.vector_store_idx %arg10[%and3A_311], %broadcast_in_dim3A_3 : memref<16384xf32, #tpu.memory_space<vmem>>[vector<16xi32>], vector<16xf32>,
        %scan3A_312 = arith.constant 0 : i32
        scf.yield %scan3A_312 : i32
      }
      %scan3A_218 = arith.constant 256 : i32
      %add3A_219 = arith.constant 1 : i32
      %add3A_220 = arith.addi %add3A_179, %add3A_219 : i32
      %add3A_221 = arith.addi %mul3A_2, %add3A_220 : i32
      %mul3A_222 = arith.constant 4096 : i32
      %mul3A_223 = arith.muli %add3A_221, %mul3A_222 : i32
      %dma_start3A_224 = arith.constant 0 : i32
      %dma_start3A_225 = tpu.memref_slice %arg6[%dma_start3A_224] : memref<4112xi32, #tpu.memory_space<vmem>> -> memref<4096xi32, #tpu.memory_space<vmem>>
      %dma_start3A_226 = tpu.memref_slice %arg2[%mul3A_223] : memref<6291456xi32, #tpu.memory_space<hbm>> -> memref<4096xi32, #tpu.memory_space<hbm>>
      %dma_start3A_227 = arith.constant 0 : i32
      %dma_start3A_228 = tpu.memref_slice %arg6[%dma_start3A_227] : memref<4112xi32, #tpu.memory_space<vmem>> -> memref<4096xi32, #tpu.memory_space<vmem>>
      %dma_start3A_229 = tpu.memref_slice %arg2[%mul3A_223] : memref<6291456xi32, #tpu.memory_space<hbm>> -> memref<4096xi32, #tpu.memory_space<hbm>>
      tpu.enqueue_dma source(%dma_start3A_229 : memref<4096xi32, #tpu.memory_space<hbm>>) target(%dma_start3A_228 : memref<4096xi32, #tpu.memory_space<vmem>>) target_semaphore(%arg12 : memref<!tpu.dma_semaphore, #tpu.memory_space<semaphore_mem>>)
      %mul3A_230 = arith.constant 4096 : i32
      %mul3A_231 = arith.muli %add3A_221, %mul3A_230 : i32
      %dma_start3A_232 = tpu.memref_slice %arg3[%mul3A_231] : memref<6291456xf32, #tpu.memory_space<hbm>> -> memref<4096xf32, #tpu.memory_space<hbm>>
      %dma_start3A_233 = tpu.memref_slice %arg3[%mul3A_231] : memref<6291456xf32, #tpu.memory_space<hbm>> -> memref<4096xf32, #tpu.memory_space<hbm>>
      tpu.enqueue_dma source(%dma_start3A_233 : memref<4096xf32, #tpu.memory_space<hbm>>) target(%arg8 : memref<4096xf32, #tpu.memory_space<vmem>>) target_semaphore(%arg14 : memref<!tpu.dma_semaphore, #tpu.memory_space<semaphore_mem>>)
      %scan3A_234 = arith.constant 0 : i32
      scf.yield %scan3A_234 : i32
    }
    %scan3A_76 = arith.constant 23 : i32
    %dma_wait3A_77 = arith.constant 0 : i32
    %dma_wait3A_78 = tpu.memref_slice %arg6[%dma_wait3A_77] : memref<4112xi32, #tpu.memory_space<vmem>> -> memref<4096xi32, #tpu.memory_space<vmem>>
    %dma_wait3A_79 = arith.constant 0 : i32
    %dma_wait3A_80 = tpu.memref_slice %arg2[%dma_wait3A_79] : memref<6291456xi32, #tpu.memory_space<hbm>> -> memref<4096xi32, #tpu.memory_space<hbm>>
    %dma_wait3A_81 = arith.constant 0 : i32
    %dma_wait3A_82 = tpu.memref_slice %arg6[%dma_wait3A_81] : memref<4112xi32, #tpu.memory_space<vmem>> -> memref<4096xi32, #tpu.memory_space<vmem>>
    %dma_wait3A_83 = arith.constant 0 : i32
    %dma_wait3A_84 = tpu.memref_slice %arg2[%dma_wait3A_83] : memref<6291456xi32, #tpu.memory_space<hbm>> -> memref<4096xi32, #tpu.memory_space<hbm>>
    tpu.wait_dma2 semaphore(%arg12 : memref<!tpu.dma_semaphore, #tpu.memory_space<semaphore_mem>>) src(%dma_wait3A_84 : memref<4096xi32, #tpu.memory_space<hbm>>) dst(%dma_wait3A_82 : memref<4096xi32, #tpu.memory_space<vmem>>)
    %dma_wait3A_85 = arith.constant 0 : i32
    %dma_wait3A_86 = tpu.memref_slice %arg3[%dma_wait3A_85] : memref<6291456xf32, #tpu.memory_space<hbm>> -> memref<4096xf32, #tpu.memory_space<hbm>>
    %dma_wait3A_87 = arith.constant 0 : i32
    %dma_wait3A_88 = tpu.memref_slice %arg3[%dma_wait3A_87] : memref<6291456xf32, #tpu.memory_space<hbm>> -> memref<4096xf32, #tpu.memory_space<hbm>>
    tpu.wait_dma2 semaphore(%arg14 : memref<!tpu.dma_semaphore, #tpu.memory_space<semaphore_mem>>) src(%dma_wait3A_88 : memref<4096xf32, #tpu.memory_space<hbm>>) dst(%arg8 : memref<4096xf32, #tpu.memory_space<vmem>>)
    %scan3A_89 = arith.constant 0 : i32
    %scan3A_90 = arith.constant 0 : i32
    %scan3A_91 = arith.constant 256 : i32
    %scan3A_92 = arith.addi %scan3A_90, %scan3A_91 : i32
    %scan3A_93 = arith.constant 8 : i32
    %scan3A_94 = scf.for %scan3A_116 = %scan3A_90 to %scan3A_92 step %scan3A_93 iter_args(%scan3A_117 = %scan3A_89) -> (i32)  : i32 {
      %mul3A_118 = arith.constant 16 : i32
      %mul3A_119 = arith.muli %scan3A_116, %mul3A_118 : i32
      %get3A = arith.index_cast %mul3A_119 : i32 to index
      %get3A_120 = tpu.vector_load %arg6[%get3A] {strides = array<i32>} : memref<4112xi32, #tpu.memory_space<vmem>>, vector<16xi32>,
      %mul3A_121 = arith.constant 16 : i32
      %mul3A_122 = arith.muli %scan3A_116, %mul3A_121 : i32
      %add3A_123 = arith.constant 1 : i32
      %add3A_124 = arith.addi %mul3A_122, %add3A_123 : i32
      %get3A_125 = arith.index_cast %add3A_124 : i32 to index
      %get3A_126 = tpu.vector_load %arg6[%get3A_125] {strides = array<i32>} : memref<4112xi32, #tpu.memory_space<vmem>>, vector<16xi32>,
      %mul3A_127 = arith.constant 16 : i32
      %mul3A_128 = arith.muli %scan3A_116, %mul3A_127 : i32
      %get3A_129 = arith.index_cast %mul3A_128 : i32 to index
      %get3A_130 = tpu.vector_load %arg8[%get3A_129] {strides = array<i32>} : memref<4096xf32, #tpu.memory_space<vmem>>, vector<16xf32>,
      %and3A = arith.constant 16383 : i32
      %and3A_131 = vector.broadcast %and3A : i32 to vector<16xi32>
      %and3A_132 = arith.andi %get3A_120, %and3A_131 : vector<16xi32>
      %ne3A = arith.cmpi ne, %get3A_120, %get3A_126 : vector<16xi32>
      tpu.vector_store_idx %arg10[%and3A_132], %get3A_130 masked %ne3A : memref<16384xf32, #tpu.memory_space<vmem>>[vector<16xi32>], vector<16xf32>, vector<16xi1>
      %scan3A_133 = arith.constant 0 : i32
      %scan3A_134 = arith.constant 1 : i32
      %scan3A_135 = arith.addi %scan3A_116, %scan3A_134 : i32
      %mul3A_136 = arith.constant 16 : i32
      %mul3A_137 = arith.muli %scan3A_135, %mul3A_136 : i32
      %get3A_138 = arith.index_cast %mul3A_137 : i32 to index
      %get3A_139 = tpu.vector_load %arg6[%get3A_138] {strides = array<i32>} : memref<4112xi32, #tpu.memory_space<vmem>>, vector<16xi32>,
      %mul3A_140 = arith.constant 16 : i32
      %mul3A_141 = arith.muli %scan3A_135, %mul3A_140 : i32
      %add3A_142 = arith.constant 1 : i32
      %add3A_143 = arith.addi %mul3A_141, %add3A_142 : i32
      %get3A_144 = arith.index_cast %add3A_143 : i32 to index
      %get3A_145 = tpu.vector_load %arg6[%get3A_144] {strides = array<i32>} : memref<4112xi32, #tpu.memory_space<vmem>>, vector<16xi32>,
      %mul3A_146 = arith.constant 16 : i32
      %mul3A_147 = arith.muli %scan3A_135, %mul3A_146 : i32
      %get3A_148 = arith.index_cast %mul3A_147 : i32 to index
      %get3A_149 = tpu.vector_load %arg8[%get3A_148] {strides = array<i32>} : memref<4096xf32, #tpu.memory_space<vmem>>, vector<16xf32>,
      %and3A_150 = arith.constant 16383 : i32
      %and3A_151 = vector.broadcast %and3A_150 : i32 to vector<16xi32>
      %and3A_152 = arith.andi %get3A_139, %and3A_151 : vector<16xi32>
      %ne3A_153 = arith.cmpi ne, %get3A_139, %get3A_145 : vector<16xi32>
      tpu.vector_store_idx %arg10[%and3A_152], %get3A_149 masked %ne3A_153 : memref<16384xf32, #tpu.memory_space<vmem>>[vector<16xi32>], vector<16xf32>, vector<16xi1>
      %scan3A_154 = arith.constant 0 : i32
      %scan3A_155 = arith.constant 2 : i32
      %scan3A_156 = arith.addi %scan3A_116, %scan3A_155 : i32
      %mul3A_157 = arith.constant 16 : i32
      %mul3A_158 = arith.muli %scan3A_156, %mul3A_157 : i32
      %get3A_159 = arith.index_cast %mul3A_158 : i32 to index
      %get3A_160 = tpu.vector_load %arg6[%get3A_159] {strides = array<i32>} : memref<4112xi32, #tpu.memory_space<vmem>>, vector<16xi32>,
      %mul3A_161 = arith.constant 16 : i32
      %mul3A_162 = arith.muli %scan3A_156, %mul3A_161 : i32
      %add3A_163 = arith.constant 1 : i32
      %add3A_164 = arith.addi %mul3A_162, %add3A_163 : i32
      %get3A_165 = arith.index_cast %add3A_164 : i32 to index
      %get3A_166 = tpu.vector_load %arg6[%get3A_165] {strides = array<i32>} : memref<4112xi32, #tpu.memory_space<vmem>>, vector<16xi32>,
      %mul3A_167 = arith.constant 16 : i32
      %mul3A_168 = arith.muli %scan3A_156, %mul3A_167 : i32
      %get3A_169 = arith.index_cast %mul3A_168 : i32 to index
      %get3A_170 = tpu.vector_load %arg8[%get3A_169] {strides = array<i32>} : memref<4096xf32, #tpu.memory_space<vmem>>, vector<16xf32>,
      %and3A_171 = arith.constant 16383 : i32
      %and3A_172 = vector.broadcast %and3A_171 : i32 to vector<16xi32>
      %and3A_173 = arith.andi %get3A_160, %and3A_172 : vector<16xi32>
      %ne3A_174 = arith.cmpi ne, %get3A_160, %get3A_166 : vector<16xi32>
      tpu.vector_store_idx %arg10[%and3A_173], %get3A_170 masked %ne3A_174 : memref<16384xf32, #tpu.memory_space<vmem>>[vector<16xi32>], vector<16xf32>, vector<16xi1>
      %scan3A_175 = arith.constant 0 : i32
      %scan3A_176 = arith.constant 3 : i32
      %scan3A_177 = arith.addi %scan3A_116, %scan3A_176 : i32
      %mul3A_178 = arith.constant 16 : i32
      %mul3A_179 = arith.muli %scan3A_177, %mul3A_178 : i32
      %get3A_180 = arith.index_cast %mul3A_179 : i32 to index
      %get3A_181 = tpu.vector_load %arg6[%get3A_180] {strides = array<i32>} : memref<4112xi32, #tpu.memory_space<vmem>>, vector<16xi32>,
      %mul3A_182 = arith.constant 16 : i32
      %mul3A_183 = arith.muli %scan3A_177, %mul3A_182 : i32
      %add3A_184 = arith.constant 1 : i32
      %add3A_185 = arith.addi %mul3A_183, %add3A_184 : i32
      %get3A_186 = arith.index_cast %add3A_185 : i32 to index
      %get3A_187 = tpu.vector_load %arg6[%get3A_186] {strides = array<i32>} : memref<4112xi32, #tpu.memory_space<vmem>>, vector<16xi32>,
      %mul3A_188 = arith.constant 16 : i32
      %mul3A_189 = arith.muli %scan3A_177, %mul3A_188 : i32
      %get3A_190 = arith.index_cast %mul3A_189 : i32 to index
      %get3A_191 = tpu.vector_load %arg8[%get3A_190] {strides = array<i32>} : memref<4096xf32, #tpu.memory_space<vmem>>, vector<16xf32>,
      %and3A_192 = arith.constant 16383 : i32
      %and3A_193 = vector.broadcast %and3A_192 : i32 to vector<16xi32>
      %and3A_194 = arith.andi %get3A_181, %and3A_193 : vector<16xi32>
      %ne3A_195 = arith.cmpi ne, %get3A_181, %get3A_187 : vector<16xi32>
      tpu.vector_store_idx %arg10[%and3A_194], %get3A_191 masked %ne3A_195 : memref<16384xf32, #tpu.memory_space<vmem>>[vector<16xi32>], vector<16xf32>, vector<16xi1>
      %scan3A_196 = arith.constant 0 : i32
      %scan3A_197 = arith.constant 4 : i32
      %scan3A_198 = arith.addi %scan3A_116, %scan3A_197 : i32
      %mul3A_199 = arith.constant 16 : i32
      %mul3A_200 = arith.muli %scan3A_198, %mul3A_199 : i32
      %get3A_201 = arith.index_cast %mul3A_200 : i32 to index
      %get3A_202 = tpu.vector_load %arg6[%get3A_201] {strides = array<i32>} : memref<4112xi32, #tpu.memory_space<vmem>>, vector<16xi32>,
      %mul3A_203 = arith.constant 16 : i32
      %mul3A_204 = arith.muli %scan3A_198, %mul3A_203 : i32
      %add3A_205 = arith.constant 1 : i32
      %add3A_206 = arith.addi %mul3A_204, %add3A_205 : i32
      %get3A_207 = arith.index_cast %add3A_206 : i32 to index
      %get3A_208 = tpu.vector_load %arg6[%get3A_207] {strides = array<i32>} : memref<4112xi32, #tpu.memory_space<vmem>>, vector<16xi32>,
      %mul3A_209 = arith.constant 16 : i32
      %mul3A_210 = arith.muli %scan3A_198, %mul3A_209 : i32
      %get3A_211 = arith.index_cast %mul3A_210 : i32 to index
      %get3A_212 = tpu.vector_load %arg8[%get3A_211] {strides = array<i32>} : memref<4096xf32, #tpu.memory_space<vmem>>, vector<16xf32>,
      %and3A_213 = arith.constant 16383 : i32
      %and3A_214 = vector.broadcast %and3A_213 : i32 to vector<16xi32>
      %and3A_215 = arith.andi %get3A_202, %and3A_214 : vector<16xi32>
      %ne3A_216 = arith.cmpi ne, %get3A_202, %get3A_208 : vector<16xi32>
      tpu.vector_store_idx %arg10[%and3A_215], %get3A_212 masked %ne3A_216 : memref<16384xf32, #tpu.memory_space<vmem>>[vector<16xi32>], vector<16xf32>, vector<16xi1>
      %scan3A_217 = arith.constant 0 : i32
      %scan3A_218 = arith.constant 5 : i32
      %scan3A_219 = arith.addi %scan3A_116, %scan3A_218 : i32
      %mul3A_220 = arith.constant 16 : i32
      %mul3A_221 = arith.muli %scan3A_219, %mul3A_220 : i32
      %get3A_222 = arith.index_cast %mul3A_221 : i32 to index
      %get3A_223 = tpu.vector_load %arg6[%get3A_222] {strides = array<i32>} : memref<4112xi32, #tpu.memory_space<vmem>>, vector<16xi32>,
      %mul3A_224 = arith.constant 16 : i32
      %mul3A_225 = arith.muli %scan3A_219, %mul3A_224 : i32
      %add3A_226 = arith.constant 1 : i32
      %add3A_227 = arith.addi %mul3A_225, %add3A_226 : i32
      %get3A_228 = arith.index_cast %add3A_227 : i32 to index
      %get3A_229 = tpu.vector_load %arg6[%get3A_228] {strides = array<i32>} : memref<4112xi32, #tpu.memory_space<vmem>>, vector<16xi32>,
      %mul3A_230 = arith.constant 16 : i32
      %mul3A_231 = arith.muli %scan3A_219, %mul3A_230 : i32
      %get3A_232 = arith.index_cast %mul3A_231 : i32 to index
      %get3A_233 = tpu.vector_load %arg8[%get3A_232] {strides = array<i32>} : memref<4096xf32, #tpu.memory_space<vmem>>, vector<16xf32>,
      %and3A_234 = arith.constant 16383 : i32
      %and3A_235 = vector.broadcast %and3A_234 : i32 to vector<16xi32>
      %and3A_236 = arith.andi %get3A_223, %and3A_235 : vector<16xi32>
      %ne3A_237 = arith.cmpi ne, %get3A_223, %get3A_229 : vector<16xi32>
      tpu.vector_store_idx %arg10[%and3A_236], %get3A_233 masked %ne3A_237 : memref<16384xf32, #tpu.memory_space<vmem>>[vector<16xi32>], vector<16xf32>, vector<16xi1>
      %scan3A_238 = arith.constant 0 : i32
      %scan3A_239 = arith.constant 6 : i32
      %scan3A_240 = arith.addi %scan3A_116, %scan3A_239 : i32
      %mul3A_241 = arith.constant 16 : i32
      %mul3A_242 = arith.muli %scan3A_240, %mul3A_241 : i32
      %get3A_243 = arith.index_cast %mul3A_242 : i32 to index
      %get3A_244 = tpu.vector_load %arg6[%get3A_243] {strides = array<i32>} : memref<4112xi32, #tpu.memory_space<vmem>>, vector<16xi32>,
      %mul3A_245 = arith.constant 16 : i32
      %mul3A_246 = arith.muli %scan3A_240, %mul3A_245 : i32
      %add3A_247 = arith.constant 1 : i32
      %add3A_248 = arith.addi %mul3A_246, %add3A_247 : i32
      %get3A_249 = arith.index_cast %add3A_248 : i32 to index
      %get3A_250 = tpu.vector_load %arg6[%get3A_249] {strides = array<i32>} : memref<4112xi32, #tpu.memory_space<vmem>>, vector<16xi32>,
      %mul3A_251 = arith.constant 16 : i32
      %mul3A_252 = arith.muli %scan3A_240, %mul3A_251 : i32
      %get3A_253 = arith.index_cast %mul3A_252 : i32 to index
      %get3A_254 = tpu.vector_load %arg8[%get3A_253] {strides = array<i32>} : memref<4096xf32, #tpu.memory_space<vmem>>, vector<16xf32>,
      %and3A_255 = arith.constant 16383 : i32
      %and3A_256 = vector.broadcast %and3A_255 : i32 to vector<16xi32>
      %and3A_257 = arith.andi %get3A_244, %and3A_256 : vector<16xi32>
      %ne3A_258 = arith.cmpi ne, %get3A_244, %get3A_250 : vector<16xi32>
      tpu.vector_store_idx %arg10[%and3A_257], %get3A_254 masked %ne3A_258 : memref<16384xf32, #tpu.memory_space<vmem>>[vector<16xi32>], vector<16xf32>, vector<16xi1>
      %scan3A_259 = arith.constant 0 : i32
      %scan3A_260 = arith.constant 7 : i32
      %scan3A_261 = arith.addi %scan3A_116, %scan3A_260 : i32
      %mul3A_262 = arith.constant 16 : i32
      %mul3A_263 = arith.muli %scan3A_261, %mul3A_262 : i32
      %get3A_264 = arith.index_cast %mul3A_263 : i32 to index
      %get3A_265 = tpu.vector_load %arg6[%get3A_264] {strides = array<i32>} : memref<4112xi32, #tpu.memory_space<vmem>>, vector<16xi32>,
      %mul3A_266 = arith.constant 16 : i32
      %mul3A_267 = arith.muli %scan3A_261, %mul3A_266 : i32
      %add3A_268 = arith.constant 1 : i32
      %add3A_269 = arith.addi %mul3A_267, %add3A_268 : i32
      %get3A_270 = arith.index_cast %add3A_269 : i32 to index
      %get3A_271 = tpu.vector_load %arg6[%get3A_270] {strides = array<i32>} : memref<4112xi32, #tpu.memory_space<vmem>>, vector<16xi32>,
      %mul3A_272 = arith.constant 16 : i32
      %mul3A_273 = arith.muli %scan3A_261, %mul3A_272 : i32
      %get3A_274 = arith.index_cast %mul3A_273 : i32 to index
      %get3A_275 = tpu.vector_load %arg8[%get3A_274] {strides = array<i32>} : memref<4096xf32, #tpu.memory_space<vmem>>, vector<16xf32>,
      %and3A_276 = arith.constant 16383 : i32
      %and3A_277 = vector.broadcast %and3A_276 : i32 to vector<16xi32>
      %and3A_278 = arith.andi %get3A_265, %and3A_277 : vector<16xi32>
      %ne3A_279 = arith.cmpi ne, %get3A_265, %get3A_271 : vector<16xi32>
      tpu.vector_store_idx %arg10[%and3A_278], %get3A_275 masked %ne3A_279 : memref<16384xf32, #tpu.memory_space<vmem>>[vector<16xi32>], vector<16xf32>, vector<16xi1>
      %scan3A_280 = arith.constant 0 : i32
      scf.yield %scan3A_280 : i32
    }
    %scan3A_95 = arith.constant 256 : i32
    %add3A_96 = arith.constant 47 : i32
    %add3A_97 = arith.addi %mul3A_2, %add3A_96 : i32
    %dma_start3A_98 = arith.constant 0 : i32
    %dma_start3A_99 = tpu.memref_slice %arg4[%add3A_97, %dma_start3A_98] : memref<1536x16384xf32, #tpu.memory_space<hbm>> -> memref<1x16384xf32, #tpu.memory_space<hbm>>
    %dma_start3A_100 = tpu.memref_squeeze %dma_start3A_99 : memref<1x16384xf32, #tpu.memory_space<hbm>> -> memref<16384xf32, #tpu.memory_space<hbm>>
    %dma_start3A_101 = arith.constant 0 : i32
    %dma_start3A_102 = tpu.memref_slice %arg4[%add3A_97, %dma_start3A_101] : memref<1536x16384xf32, #tpu.memory_space<hbm>> -> memref<1x16384xf32, #tpu.memory_space<hbm>>
    %dma_start3A_103 = tpu.memref_squeeze %dma_start3A_102 : memref<1x16384xf32, #tpu.memory_space<hbm>> -> memref<16384xf32, #tpu.memory_space<hbm>>
    tpu.enqueue_dma source(%arg10 : memref<16384xf32, #tpu.memory_space<vmem>>) target(%dma_start3A_103 : memref<16384xf32, #tpu.memory_space<hbm>>) target_semaphore(%arg16 : memref<!tpu.dma_semaphore, #tpu.memory_space<semaphore_mem>>)
    %dma_wait3A_104 = arith.constant 0 : i32
    %dma_wait3A_105 = tpu.memref_slice %arg4[%mul3A_2, %dma_wait3A_104] : memref<1536x16384xf32, #tpu.memory_space<hbm>> -> memref<1x16384xf32, #tpu.memory_space<hbm>>
    %dma_wait3A_106 = tpu.memref_squeeze %dma_wait3A_105 : memref<1x16384xf32, #tpu.memory_space<hbm>> -> memref<16384xf32, #tpu.memory_space<hbm>>
    %dma_wait3A_107 = arith.constant 0 : i32
    %dma_wait3A_108 = tpu.memref_slice %arg4[%mul3A_2, %dma_wait3A_107] : memref<1536x16384xf32, #tpu.memory_space<hbm>> -> memref<1x16384xf32, #tpu.memory_space<hbm>>
    %dma_wait3A_109 = tpu.memref_squeeze %dma_wait3A_108 : memref<1x16384xf32, #tpu.memory_space<hbm>> -> memref<16384xf32, #tpu.memory_space<hbm>>
    tpu.wait_dma2 semaphore(%arg15 : memref<!tpu.dma_semaphore, #tpu.memory_space<semaphore_mem>>) src(%arg9 : memref<16384xf32, #tpu.memory_space<vmem>>) dst(%dma_wait3A_109 : memref<16384xf32, #tpu.memory_space<hbm>>)
    %dma_wait3A_110 = arith.constant 0 : i32
    %dma_wait3A_111 = tpu.memref_slice %arg4[%mul3A_2, %dma_wait3A_110] : memref<1536x16384xf32, #tpu.memory_space<hbm>> -> memref<1x16384xf32, #tpu.memory_space<hbm>>
    %dma_wait3A_112 = tpu.memref_squeeze %dma_wait3A_111 : memref<1x16384xf32, #tpu.memory_space<hbm>> -> memref<16384xf32, #tpu.memory_space<hbm>>
    %dma_wait3A_113 = arith.constant 0 : i32
    %dma_wait3A_114 = tpu.memref_slice %arg4[%mul3A_2, %dma_wait3A_113] : memref<1536x16384xf32, #tpu.memory_space<hbm>> -> memref<1x16384xf32, #tpu.memory_space<hbm>>
    %dma_wait3A_115 = tpu.memref_squeeze %dma_wait3A_114 : memref<1x16384xf32, #tpu.memory_space<hbm>> -> memref<16384xf32, #tpu.memory_space<hbm>>
    tpu.wait_dma2 semaphore(%arg16 : memref<!tpu.dma_semaphore, #tpu.memory_space<semaphore_mem>>) src(%arg10 : memref<16384xf32, #tpu.memory_space<vmem>>) dst(%dma_wait3A_115 : memref<16384xf32, #tpu.memory_space<hbm>>)
    return
  }
}

</mosaic_0001>

<sc_bundles>
// kernel: kernel.3.cloned.1.call-start
scs
__scs_entry_jumppad:
0x0: {  	(pc) =	sbr.rel $0x88, $3  }
0x1: {  	(tag) =	ssettag $0x0;
	lr =	simm.s32 $0x1  }
0x2: {  	[smem:$0x3F9F] =	sst lr;
	_ =	strace $0xD0000000  }
0x3: {  	_ = 	snop  }
0x4: {  	_ = 	snop  }
0x5: {  	_ = 	snop  }
0x6: {  	_ = 	snop  }
0x7: {  	_ = 	snop  }
__scs_overlays_trampoline_lowered:
0x8: {  	[smem:$0x3FAE] =	sst s0  }
0x9: {  	[smem:$0x3FAF] =	sst s1  }
0xa: {  	[smem:$0x3FB0] =	sst s2  }
0xb: {  	[smem:$0x3FB1] =	sst s3  }
0xc: {  	[smem:$0x3FB2] =	sst s4  }
0xd: {  	[smem:$0x3FB3] =	sst s5  }
0xe: {  	[smem:$0x3FB4] =	sst s6  }
0xf: {  	[smem:$0x3FB5] =	sst s7  }
0x10: {  	[smem:$0x3FB6] =	sst s8  }
0x11: {  	[smem:$0x3FB7] =	sst s9;
	s0 =	simm.s32 @!p0 $0x0  }
0x12: {  	s1 =	sld [smem:$0x3F9D];
	s0 =	simm.s32 @p0 $0x1  }
0x13: {  	[smem:$0x3FB8] =	sst s0;
	s0 =	simm.s32 @!p1 $0x0  }
0x14: {  	s2 =	sld [smem:$0x3F9C];
	s0 =	simm.s32 @p1 $0x1  }
0x15: {  	[smem:$0x3FB9] =	sst s0;
	s0 =	simm.s32 @!p2 $0x0  }
0x16: {  	s3 =	sld [smem:$0x3FDB];
	s0 =	simm.s32 @p2 $0x1  }
0x17: {  	s4 =	simm.s32 $0x1BF5;
	[smem:$0x3FBB] =	sst s0  }
0x18: {  	s0 =	sld [smem:$0x3F9E];
	_ =	swait.ge [sflag:s4], $0x0  }
0x19: {  	s7 =	sld [smem:$0x3F9F]  }
0x1a: {  	s8 =	sadd.s32 $0xFFFFE003, lr  }
0x1b: {  	s9 =	sadd.s32 $0xFFFFFEF7, lr;
	s5 =	simm.s32 $0xFFFFFFFF;
	p2 =	slt.u32 s8, $0xFFFFF086  }
0x1c: {  	p1 =	slt.u32 s9, $0xF7A;
	s5 =	simm.s32 @!p2 $0x0  }
0x1d: {  	s5 =	simm.s32 @p1 $0x1;
	p0 =	seq.s32 s7, s2  }
0x1e: {  	s7 =	smul.u32 @!p0 $0xF7A, s2;
	p2 =	seq.s32 @!p0 s5, $0x0  }
0x1f: {  	s9 =	smul.u32 $0xF7A, s1;
	s8 =	simm.s32 @!p0 $0x1BF5;
	p2 =	por !p2, p0  }
0x20: {  	[sflag:s8] =	ssyncset.s32 @!p0 $0xFFFFF086;
	s6 =	sadd.s32 @!p0 s3, s7;
	s7 =	simm.s32 @!p0 $0x108  }
0x21: {  	s3 =	sadd.s32 s3, s9;
	s6 =	sadd.s32 @!p0 $0x88, s6;
	s7 =	simm.s32 @p2 $0x1082  }
0x22: {  	[simem:s7], [sflag:s8] =	dma.local @!p0 [hbm:s6], $0xF7A  }
0x23: {  	s9 =	sor.u32 $0xD0000000, s2;
	s6 =	simm.s32 $0x108;
	_ =	swait.ge @!p0 [sflag:s8], $0x0  }
0x24: {  	s3 =	sadd.s32 $0x88, s3;
	s6 =	simm.s32 @!p1 $0x1082;
	[sflag:s4] =	ssyncset.s32 $0xFFFFF086  }
0x25: {  	[simem:s6], [sflag:s4] =	dma.local [hbm:s3], $0xF7A  }
0x26: {  	[smem:$0x3F9F] =	sst s1;
	(tag) =	ssettag s2;
	_ =	strace s9  }
0x27: {  	s1 =	sld [smem:$0x3FAF]  }
0x28: {  	s2 =	sld [smem:$0x3FB0]  }
0x29: {  	s4 =	sld [smem:$0x3FB2]  }
0x2a: {  	p0 =	seq.s32 s5, $0x0;
	s5 =	sld [smem:$0x3FB3]  }
0x2b: {  	s6 =	sld [smem:$0x3FB4]  }
0x2c: {  	s7 =	sld [smem:$0x3FB5]  }
0x2d: {  	s3 =	simm.s32 $0x108;
	s8 =	sld [smem:$0x3FB6]  }
0x2e: {  	s3 =	simm.s32 @!p0 $0x1082;
	s9 =	sld [smem:$0x3FB7]  }
0x2f: {  	lr =	sadd.s32 s0, s3;
	s0 =	sld [smem:$0x3FAE]  }
0x30: {  	s3 =	sld [smem:$0x3FB1]  }
0x31: {  	[smem:$0x3FBA] =	sst s10  }
0x32: {  	s10 =	sld [smem:$0x3FB8];
	_ =	sdelay $0x3  }
0x33: {  	p0 =	seq.s32 s10, $0x1;
	s10 =	sld [smem:$0x3FBA];
	_ =	sdelay $0x3  }
0x34: {  	[smem:$0x3FBA] =	sst s10  }
0x35: {  	s10 =	sld [smem:$0x3FB9];
	_ =	sdelay $0x3  }
0x36: {  	p1 =	seq.s32 s10, $0x1;
	s10 =	sld [smem:$0x3FBA];
	_ =	sdelay $0x3  }
0x37: {  	[smem:$0x3FBA] =	sst s10  }
0x38: {  	s10 =	sld [smem:$0x3FBB]  }
0x39: {  	_ = 	snop;
	(pc) =	sbr.ind lr, $3  }
0x3a: {  	_ = 	snop  }
0x3b: {  	_ = 	snop  }
0x3c: {  	p2 =	seq.s32 s10, $0x1;
	s10 =	sld [smem:$0x3FBA]  }
0x3d: {  	_ =	shalt  }
0x3e: {  	_ =	shalt  }
0x3f: {  	_ =	shalt  }
0x40: {  	_ =	shalt  }
0x41: {  	_ =	shalt  }
0x42: {  	_ =	shalt  }
0x43: {  	_ =	shalt  }
0x44: {  	_ =	shalt  }
0x45: {  	_ =	shalt  }
0x46: {  	_ =	shalt  }
0x47: {  	_ =	shalt  }
0x48: {  	_ =	shalt  }
0x49: {  	_ =	shalt  }
0x4a: {  	_ =	shalt  }
0x4b: {  	_ =	shalt  }
0x4c: {  	_ =	shalt  }
0x4d: {  	_ =	shalt  }
0x4e: {  	_ =	shalt  }
0x4f: {  	_ =	shalt  }
0x50: {  	_ =	shalt  }
0x51: {  	_ =	shalt  }
0x52: {  	_ =	shalt  }
0x53: {  	_ =	shalt  }
0x54: {  	_ =	shalt  }
0x55: {  	_ =	shalt  }
0x56: {  	_ =	shalt  }
0x57: {  	_ =	shalt  }
0x58: {  	_ =	shalt  }
0x59: {  	_ =	shalt  }
0x5a: {  	_ =	shalt  }
0x5b: {  	_ =	shalt  }
0x5c: {  	_ =	shalt  }
0x5d: {  	_ =	shalt  }
0x5e: {  	_ =	shalt  }
0x5f: {  	_ =	shalt  }
0x60: {  	_ =	shalt  }
0x61: {  	_ =	shalt  }
0x62: {  	_ =	shalt  }
0x63: {  	_ =	shalt  }
0x64: {  	_ =	shalt  }
0x65: {  	_ =	shalt  }
0x66: {  	_ =	shalt  }
0x67: {  	_ =	shalt  }
0x68: {  	_ =	shalt  }
0x69: {  	_ =	shalt  }
0x6a: {  	_ =	shalt  }
0x6b: {  	_ =	shalt  }
0x6c: {  	_ =	shalt  }
0x6d: {  	_ =	shalt  }
0x6e: {  	_ =	shalt  }
0x6f: {  	_ =	shalt  }
0x70: {  	_ =	shalt  }
0x71: {  	_ =	shalt  }
0x72: {  	_ =	shalt  }
0x73: {  	_ =	shalt  }
0x74: {  	_ =	shalt  }
0x75: {  	_ =	shalt  }
0x76: {  	_ =	shalt  }
0x77: {  	_ =	shalt  }
0x78: {  	_ =	shalt  }
0x79: {  	_ =	shalt  }
0x7a: {  	_ =	shalt  }
0x7b: {  	_ =	shalt  }
0x7c: {  	_ =	shalt  }
0x7d: {  	_ =	shalt  }
0x7e: {  	_ =	shalt  }
0x7f: {  	_ =	shalt  }
0x80: {  	_ =	shalt  }
0x81: {  	_ =	shalt  }
0x82: {  	_ =	shalt  }
0x83: {  	_ =	shalt  }
0x84: {  	_ =	shalt  }
0x85: {  	_ =	shalt  }
0x86: {  	_ =	shalt  }
0x87: {  	_ =	shalt  }
.Lfunc_end0:
.L_simem_size_0:
called_computation.1_lowered:
.L_overlay_start_0:
0x88: {  	s2 =	sld [smem:$0x3FD9]  }
0x89: {  	s3 =	sld [smem:$0x3FFE];
	_ =	sdelay $0x1  }
0x8a: {  	s1 =	srdreg.scid  }
0x8b: {  	s0 =	sand.u32 $0x1, s1  }
0x8c: {  	s17 =	sshll.u32 s0, $0xA;
	s2 =	sadd.s32 s3, s2  }
0x8d: {  	s2 =	sadd.s32 s2, s17  }
0x8e: {  	[smem:$0x3FC6] =	sst s2  }
0x8f: {  	_ = 	snop  }
0x90: {  	s2 =	sld [smem:$0x3FD0];
	(tm) =	ssettm $0x1  }
0x91: {  	s18 =	sld [smem:$0x3FFB];
	_ =	sdelay $0x3  }
0x92: {  	_ =	strace s18  }
0x93: {  	s3 =	sld [smem:$0x3FFC];
	_ =	sdelay $0x3  }
0x94: {  	_ =	strace s3  }
0x95: {  	s3 =	sld [smem:$0x3FFD];
	_ =	sdelay $0x3  }
0x96: {  	_ =	strace s3  }
0x97: {  	_ =	strace $0x8FFFFFFF  }
0x98: {  	s19 =	sld [smem:$0x3FDB];
	_ =	sdelay $0x1  }
0x99: {  	s4 =	simm.s32 $_scs_section_size  }
0x9a: {  	s5 =	simm.s32 $_size__tile_overlayer_lowered;
	s6 =	simm.s32 $_tile_overlayer_lowered  }
0x9b: {  	s22 =	simm.s32 $0x1BFF;
	s21 =	sshll.u32 s6, $0x1;
	s3 =	sadd.s32 s4, s19  }
0x9c: {  	s7 =	simm.s32 $0x0;
	s20 =	sshll.u32 s5, $0x1;
	s5 =	sadd.s32 s21, s3  }
0x9d: {  	[timem:s7], [sflag:s22] =	dma.local [hbm:s5], s20  }
0x9e: {  	_ =	swait.ge [sflag:s22], s20  }
0x9f: {  	s4 =	ssub.s32 $0x0, s20;
	[sflag:s22] =	ssyncset.done $0x0  }
0xa0: {  	[sflag:s22] =	ssyncadd.s32 s4;
	_ =	sdelay $0x1  }
0xa1: {  	s23 =	simm.s32 $0x1B8B  }
0xa2: {  	_ =	swait.ge [sflag:s23], $0x1  }
0xa3: {  	[sflag:s23] =	ssyncset.done $0x0  }
0xa4: {  	s25 =	simm.s32 $0x1B8E;
	s24 =	sld [smem:$0x3FFE];
	[sflag:s23] =	ssyncadd.s32 $0xFFFFFFFF  }
0xa5: {  	s26 =	simm.s32 $execute0_lowered;
	[smem:$0x3FD2] =	sst s25  }
0xa6: {  	s5 =	sshll.u32 s26, $0x1;
	_ =	strace $0x80000046;
	[dreg:$0x1] =	wrdreg $0xFFFFFFFF  }
0xa7: {  	s28 =	simm.s32 $_size_execute0_lowered;
	s3 =	sadd.s32 s3, s5;
	[dreg:$0x0] =	wrdreg $0x0  }
0xa8: {  	s5 =	sshll.u32 s28, $0x1;
	[dreg:$0x2] =	wrdreg s3  }
0xa9: {  	[dreg:$0x3] =	wrdreg s5  }
0xaa: {  	[dreg:$0x4] =	wrdreg $0xC0  }
0xab: {  	_ =	task [dreg:s7], $0x5FFFF  }
0xac: {  	[dreg:$0x1] =	wrdreg $0xFFFFFFFF  }
0xad: {  	[dreg:$0x0] =	wrdreg $0x60  }
0xae: {  	[dreg:$0x2] =	wrdreg s2  }
0xaf: {  	[dreg:$0x3] =	wrdreg s24  }
0xb0: {  	[dreg:$0x4] =	wrdreg $0x9  }
0xb1: {  	_ =	task.clear_ibuf [dreg:s7], $0x5FFFF;
	_ =	strace $0x90000046  }
0xb2: {  	s29 =	simm.s32 $0x9;
	_ =	strace $0x80000048  }
0xb3: {  	_ =	swait.ge [sflag:s29], $0x1  }
0xb4: {  	[sflag:s29] =	ssyncadd.s32 $0xFFFFFFFF  }
0xb5: {  	_ =	strace $0x90000048  }
0xb6: {  	_ =	sfence  }
0xb7: {  	s30 =	sld [smem:$0x0];
	_ =	sdelay $0x2  }
0xb8: {  	s31 =	sshll.u32 s1, $0xD;
	s1 =	sshrl.u32 s1, $0x2  }
0xb9: {  	s3 =	sand.u32 $0x4000, s31;
	s1 =	sadd.s32 s1, s30  }
0xba: {  	s0 =	sor.u32 s3, s0;
	s1 =	sshll.u32 s1, $0x11  }
0xbb: {  	s0 =	sor.u32 s1, s0  }
0xbc: {  	s0 =	sadd.s32 $0x8F2B, s0  }
0xbd: {  	[sflag:s0] =	ssyncadd.remote.s32 $0x1  }
0xbe: {  	_ =	sfence.sel $0xFFFF  }
0xbf: {  	[dreg:$0x0] =	wrdreg $0xFFFFFFFF;
	(pc) =	sbr.abs _section_cstart, $3  }
0xc0: {  	[dreg:$0x1] =	wrdreg $0xFFFFFFFF  }
0xc1: {  	_ =	task.clear_ibuf [dreg:s7], $0x2FFFF;
	_ =	strace $0x9FFFFFFF  }
0xc2: {  	(tm) =	ssettm $0x7FFFFFFF  }
0xc3: {  	_ =	shalt  }
tec
execute0_lowered:
.L_overlay_start_1:
0x0: {  	(tag) =	ssettag $0x1  }
0x1: {  	s1 =	rddreg [dreg:$0x0]  }
0x2: {  	s0 =	rddreg [dreg:$0x1]  }
0x3: {  	s3 =	simm.s32 $0x0;
	s2 =	srdreg.scid;
	s4 =	stileid.u32  }
0x4: {  	s15 =	simm.s32 $0x2100;
	s16 =	simm.s32 $0x1080;
	s17 =	simm.s32 $0x3100  }
0x5: {  	s18 =	simm.s32 $0x1;
	s19 =	simm.s32 $0x3;
	s20 =	simm.s32 $0x4100  }
0x6: {  	s21 =	simm.s32 $0x80;
	s22 =	simm.s32 $0x400;
	s23 =	simm.s32 $0x2  }
0x7: {  	s24 =	simm.s32 $0x4;
	s2 =	sand.u32 $0x1, s2;
	s4 =	sshll.u32 s4, $0x1  }
0x8: {  	s28 =	simm.s32 $0x6;
	s6 =	ssub.s32 $0x2, s2;
	s2 =	sor.u32 s2, s4  }
0x9: {  	s29 =	simm.s32 $0x0;
	[smem:$0x7FF] =	sst s3;
	s8 =	smul.u32 $0x6000, s2  }
0xa: {  	s5 =	sadd.s32 $0x241A00, s0;
	s7 =	sshrl.u32 s6, $0x1;
	s26 =	smul.u32 $0xC0000, s2  }
0xb: {  	_ =	strace $0x80000047;
	s25 =	ssub.s32 s6, s7;
	s6 =	smul.u32 $0x30, s2  }
0xc: {  	s4 =	sadd.s32 $0x181A00, s0;
	s2 =	smul.u32 $0x18000, s2;
	s9 =	sadd.s32 s1, s8  }
0xd: {  	s30 =	sadd.s32 s4, s8;
	s8 =	sor.u32 $0x200, s8;
	s7 =	sshrl.u32 s26, $0x3  }
0xe: {  	s14 =	smax.u32 s25, $0x1;
	s25 =	simm.s32 $0x8100;
	[dreg:$0x3] =	wrdreg s9  }
0xf: {  	s26 =	simm.s32 $0x5;
	[dreg:$0x4] =	wrdreg s30;
	s31 =	sadd.s32 s1, s8  }
0x10: {  	s10 =	sadd.s32 s4, s8;
	s7 =	sadd.s32 s5, s7;
	s11 =	sadd.s32 s5, s2  }
0x11: {  	v0 =	vimm.f32 $0.0e+00;
	v1 =	vimm.s32 $0xFFFFFFFF;
	s12 =	sor.u32 $0x3, s6;
	[dreg:$0x5] =	wrdreg s31;
	s13 =	sadd.s32 $0x14070, s7  }
.LBB2_1:
0x12: {  	s2 =	simm.s32 $0x4140  }
0x13: {  	s0 =	simm.s32 $0x8140;
	[tilespmem:s2+$0xFFFFFFC0] =	vst v0  }
0x14: {  	[tilespmem:s0+$0xFFFFFFC0] =	vst v0  }
0x15: {  	[tilespmem:s2+$0xFFFFFFD0] =	vst v0  }
0x16: {  	[tilespmem:s0+$0xFFFFFFD0] =	vst v0  }
0x17: {  	[tilespmem:s2+$0xFFFFFFE0] =	vst v0  }
0x18: {  	[tilespmem:s0+$0xFFFFFFE0] =	vst v0  }
0x19: {  	[tilespmem:s2+$0xFFFFFFF0] =	vst v0  }
0x1a: {  	[tilespmem:s0+$0xFFFFFFF0] =	vst v0  }
0x1b: {  	[tilespmem:s2+$0x0] =	vst v0  }
0x1c: {  	[tilespmem:s0+$0x0] =	vst v0  }
0x1d: {  	[tilespmem:s2+$0x10] =	vst v0  }
0x1e: {  	[tilespmem:s0+$0x10] =	vst v0  }
0x1f: {  	[tilespmem:s2+$0x20] =	vst v0  }
0x20: {  	[tilespmem:s0+$0x20] =	vst v0  }
0x21: {  	[tilespmem:s2+$0x30] =	vst v0  }
0x22: {  	s7 =	simm.s32 $0x41C0;
	s2 =	simm.s32 $0x0;
	[tilespmem:s0+$0x30] =	vst v0  }
.LBB2_2:
0x23: {  	[tilespmem:s7+$0xFFFFFFC0] =	vst v0;
	s0 =	sadd.s32 $0x80, s0  }
0x24: {  	[tilespmem:s0+$0xFFFFFFC0] =	vst v0  }
0x25: {  	[tilespmem:s7+$0xFFFFFFD0] =	vst v0  }
0x26: {  	[tilespmem:s0+$0xFFFFFFD0] =	vst v0  }
0x27: {  	[tilespmem:s7+$0xFFFFFFE0] =	vst v0  }
0x28: {  	[tilespmem:s0+$0xFFFFFFE0] =	vst v0  }
0x29: {  	[tilespmem:s7+$0xFFFFFFF0] =	vst v0  }
0x2a: {  	[tilespmem:s0+$0xFFFFFFF0] =	vst v0  }
0x2b: {  	[tilespmem:s7+$0x0] =	vst v0  }
0x2c: {  	s2 =	sadd.s32 $0x8, s2;
	[tilespmem:s0+$0x0] =	vst v0  }
0x2d: {  	p0 =	slt.u32 s2, $0x3F8;
	[tilespmem:s7+$0x10] =	vst v0  }
.Ltmp0:
0x2e: {  	[tilespmem:s0+$0x10] =	vst v0;
	(pc) =	sbr.rel @p0 .LBB2_2-.Ltmp0, $4  }
0x2f: {  	[tilespmem:s7+$0x20] =	vst v0  }
0x30: {  	[tilespmem:s0+$0x20] =	vst v0  }
0x31: {  	[tilespmem:s7+$0x30] =	vst v0  }
0x32: {  	s7 =	sadd.s32 $0x80, s7;
	[tilespmem:s0+$0x30] =	vst v0  }
0x33: {  	[tilespmem:$0x1000] =	vst v1  }
0x34: {  	[tilespmem:$0x2080] =	vst v1;
	s0 =	rddreg [dreg:$0x3]  }
0x35: {  	[tilespmem:s3], [sflag:$0x1] =	stream.linear.gather [hbm4b:s0+s3], $0x1000, $0x38;
	[tilespmem:$0xC100] =	vst v63  }
0x36: {  	s30 =	rddreg [dreg:$0x4]  }
0x37: {  	[tilespmem:s15], [sflag:$0x3] =	stream.linear.gather [hbm4b:s30+s3], $0x1000, $0x38;
	[tilespmem:$0xC100] =	vst v63  }
0x38: {  	s31 =	rddreg [dreg:$0x5]  }
0x39: {  	[tilespmem:s16], [sflag:$0x2] =	stream.linear.gather [hbm4b:s31+s3], $0x1000, $0x38;
	[tilespmem:$0xC100] =	vst v63  }
0x3a: {  	_ = 	snop  }
0x3b: {  	[tilespmem:s17], [sflag:$0x4] =	stream.linear.gather [hbm4b:s10+s3], $0x1000, $0x38;
	[tilespmem:$0xC100] =	vst v63  }
0x3c: {  	_ =	swait.ge [sflag:s18], $0x1000  }
0x3d: {  	[sflag:s18] =	ssyncset.done $0x0  }
0x3e: {  	[sflag:s18] =	ssyncadd.s32 $0xFFFFF000  }
0x3f: {  	_ =	swait.ge [sflag:s19], $0x1000  }
0x40: {  	s2 =	simm.s32 $0x40;
	[sflag:s19] =	ssyncset.done $0x0  }
0x41: {  	s7 =	simm.s32 $0x2140;
	s0 =	simm.s32 $0xFFFFFFF8;
	[sflag:s19] =	ssyncadd.s32 $0xFFFFF000  }
.LBB2_4:
0x42: {  	v2 =	vld [tilespmem:s2+$0xFFFFFFC0]  }
0x43: {  	v3 =	vld [tilespmem:s2+$0xFFFFFFC1];
	_ =	sdelay $0x4  }
0x44: {  	vm0 =	vne.s32 v2, v3  }
0x45: {  	v3 =	vld [tilespmem:s7+$0xFFFFFFC0];
	v2 =	vand.u32 $0x3FFF, v2;
	_ =	sdelay $0x4  }
0x46: {  	[tilespmem:v2+s20+$0x0] =	vst.idx.msk vm0, v3  }
0x47: {  	v2 =	vld [tilespmem:s2+$0xFFFFFFD0]  }
0x48: {  	v3 =	vld [tilespmem:s2+$0xFFFFFFD1];
	_ =	sdelay $0x4  }
0x49: {  	vm9 =	vne.s32 v2, v3  }
0x4a: {  	v3 =	vld [tilespmem:s7+$0xFFFFFFD0];
	v2 =	vand.u32 $0x3FFF, v2;
	_ =	sdelay $0x4  }
0x4b: {  	[tilespmem:v2+s20+$0x0] =	vst.idx.msk vm9, v3  }
0x4c: {  	v2 =	vld [tilespmem:s2+$0xFFFFFFE0]  }
0x4d: {  	v3 =	vld [tilespmem:s2+$0xFFFFFFE1];
	_ =	sdelay $0x4  }
0x4e: {  	vm10 =	vne.s32 v2, v3  }
0x4f: {  	v3 =	vld [tilespmem:s7+$0xFFFFFFE0];
	v2 =	vand.u32 $0x3FFF, v2;
	_ =	sdelay $0x4  }
0x50: {  	[tilespmem:v2+s20+$0x0] =	vst.idx.msk vm10, v3  }
0x51: {  	v2 =	vld [tilespmem:s2+$0xFFFFFFF0]  }
0x52: {  	v3 =	vld [tilespmem:s2+$0xFFFFFFF1];
	_ =	sdelay $0x4  }
0x53: {  	vm11 =	vne.s32 v2, v3  }
0x54: {  	v3 =	vld [tilespmem:s7+$0xFFFFFFF0];
	v2 =	vand.u32 $0x3FFF, v2;
	_ =	sdelay $0x4  }
0x55: {  	[tilespmem:v2+s20+$0x0] =	vst.idx.msk vm11, v3  }
0x56: {  	v2 =	vld [tilespmem:s2+$0x0]  }
0x57: {  	v3 =	vld [tilespmem:s2+$0x1];
	_ =	sdelay $0x4  }
0x58: {  	vm12 =	vne.s32 v2, v3  }
0x59: {  	v3 =	vld [tilespmem:s7+$0x0];
	v2 =	vand.u32 $0x3FFF, v2;
	_ =	sdelay $0x4  }
0x5a: {  	[tilespmem:v2+s20+$0x0] =	vst.idx.msk vm12, v3  }
0x5b: {  	v2 =	vld [tilespmem:s2+$0x10]  }
0x5c: {  	v3 =	vld [tilespmem:s2+$0x11];
	_ =	sdelay $0x4  }
0x5d: {  	vm13 =	vne.s32 v2, v3  }
0x5e: {  	v3 =	vld [tilespmem:s7+$0x10];
	v2 =	vand.u32 $0x3FFF, v2;
	_ =	sdelay $0x4  }
0x5f: {  	[tilespmem:v2+s20+$0x0] =	vst.idx.msk vm13, v3  }
0x60: {  	v2 =	vld [tilespmem:s2+$0x20]  }
0x61: {  	v3 =	vld [tilespmem:s2+$0x21];
	_ =	sdelay $0x4  }
0x62: {  	vm14 =	vne.s32 v2, v3  }
0x63: {  	v3 =	vld [tilespmem:s7+$0x20];
	v2 =	vand.u32 $0x3FFF, v2;
	_ =	sdelay $0x4  }
0x64: {  	[tilespmem:v2+s20+$0x0] =	vst.idx.msk vm14, v3  }
0x65: {  	v2 =	vld [tilespmem:s2+$0x30]  }
0x66: {  	v3 =	vld [tilespmem:s2+$0x31];
	_ =	sdelay $0x4  }
0x67: {  	s0 =	sadd.s32 $0x8, s0;
	vm15 =	vne.s32 v2, v3  }
0x68: {  	p0 =	slt.u32 s0, $0xF8;
	v3 =	vld [tilespmem:s7+$0x30];
	v2 =	vand.u32 $0x3FFF, v2  }
.Ltmp1:
0x69: {  	_ = 	snop;
	(pc) =	sbr.rel @p0 .LBB2_4-.Ltmp1, $2  }
0x6a: {  	_ =	sdelay $0x2  }
0x6b: {  	s2 =	sadd.s32 $0x80, s2;
	s7 =	sadd.s32 $0x80, s7;
	[tilespmem:v2+s20+$0x0] =	vst.idx.msk vm15, v3  }
0x6c: {  	[hbm4b:s11+s21] =	stream.strided.scatter [tilespmem:s20], [sflag:$0x5], $0x4000, s22, s21, $0x38;
	[tilespmem:$0xC100] =	vst v63  }
0x6d: {  	s30 =	simm.s32 $0x0  }
.LBB2_6:
0x6e: {  	_ =	swait.ge [sflag:s23], $0x1000  }
0x6f: {  	[sflag:s23] =	ssyncset.done $0x0  }
0x70: {  	[sflag:s23] =	ssyncadd.s32 $0xFFFFF000  }
0x71: {  	_ =	swait.ge [sflag:s24], $0x1000  }
0x72: {  	s0 =	simm.s32 $0xFFFFFFF8;
	[sflag:s24] =	ssyncset.done $0x0  }
0x73: {  	s2 =	simm.s32 $0x10C0;
	s7 =	simm.s32 $0x3140;
	[sflag:s24] =	ssyncadd.s32 $0xFFFFF000  }
.LBB2_7:
0x74: {  	v2 =	vld [tilespmem:s2+$0xFFFFFFC0]  }
0x75: {  	v3 =	vld [tilespmem:s2+$0xFFFFFFC1];
	_ =	sdelay $0x4  }
0x76: {  	vm0 =	vne.s32 v2, v3  }
0x77: {  	v3 =	vld [tilespmem:s7+$0xFFFFFFC0];
	v2 =	vand.u32 $0x3FFF, v2;
	_ =	sdelay $0x4  }
0x78: {  	[tilespmem:v2+s25+$0x0] =	vst.idx.msk vm0, v3  }
0x79: {  	v2 =	vld [tilespmem:s2+$0xFFFFFFD0]  }
0x7a: {  	v3 =	vld [tilespmem:s2+$0xFFFFFFD1];
	_ =	sdelay $0x4  }
0x7b: {  	vm9 =	vne.s32 v2, v3  }
0x7c: {  	v3 =	vld [tilespmem:s7+$0xFFFFFFD0];
	v2 =	vand.u32 $0x3FFF, v2;
	_ =	sdelay $0x4  }
0x7d: {  	[tilespmem:v2+s25+$0x0] =	vst.idx.msk vm9, v3  }
0x7e: {  	v2 =	vld [tilespmem:s2+$0xFFFFFFE0]  }
0x7f: {  	v3 =	vld [tilespmem:s2+$0xFFFFFFE1];
	_ =	sdelay $0x4  }
0x80: {  	vm10 =	vne.s32 v2, v3  }
0x81: {  	v3 =	vld [tilespmem:s7+$0xFFFFFFE0];
	v2 =	vand.u32 $0x3FFF, v2;
	_ =	sdelay $0x4  }
0x82: {  	[tilespmem:v2+s25+$0x0] =	vst.idx.msk vm10, v3  }
0x83: {  	v2 =	vld [tilespmem:s2+$0xFFFFFFF0]  }
0x84: {  	v3 =	vld [tilespmem:s2+$0xFFFFFFF1];
	_ =	sdelay $0x4  }
0x85: {  	vm11 =	vne.s32 v2, v3  }
0x86: {  	v3 =	vld [tilespmem:s7+$0xFFFFFFF0];
	v2 =	vand.u32 $0x3FFF, v2;
	_ =	sdelay $0x4  }
0x87: {  	[tilespmem:v2+s25+$0x0] =	vst.idx.msk vm11, v3  }
0x88: {  	v2 =	vld [tilespmem:s2+$0x0]  }
0x89: {  	v3 =	vld [tilespmem:s2+$0x1];
	_ =	sdelay $0x4  }
0x8a: {  	vm12 =	vne.s32 v2, v3  }
0x8b: {  	v3 =	vld [tilespmem:s7+$0x0];
	v2 =	vand.u32 $0x3FFF, v2;
	_ =	sdelay $0x4  }
0x8c: {  	[tilespmem:v2+s25+$0x0] =	vst.idx.msk vm12, v3  }
0x8d: {  	v2 =	vld [tilespmem:s2+$0x10]  }
0x8e: {  	v3 =	vld [tilespmem:s2+$0x11];
	_ =	sdelay $0x4  }
0x8f: {  	vm13 =	vne.s32 v2, v3  }
0x90: {  	v3 =	vld [tilespmem:s7+$0x10];
	v2 =	vand.u32 $0x3FFF, v2;
	_ =	sdelay $0x4  }
0x91: {  	[tilespmem:v2+s25+$0x0] =	vst.idx.msk vm13, v3  }
0x92: {  	v2 =	vld [tilespmem:s2+$0x20]  }
0x93: {  	v3 =	vld [tilespmem:s2+$0x21];
	_ =	sdelay $0x4  }
0x94: {  	vm14 =	vne.s32 v2, v3  }
0x95: {  	v3 =	vld [tilespmem:s7+$0x20];
	v2 =	vand.u32 $0x3FFF, v2;
	_ =	sdelay $0x4  }
0x96: {  	[tilespmem:v2+s25+$0x0] =	vst.idx.msk vm14, v3  }
0x97: {  	v2 =	vld [tilespmem:s2+$0x30]  }
0x98: {  	v3 =	vld [tilespmem:s2+$0x31];
	_ =	sdelay $0x4  }
0x99: {  	s0 =	sadd.s32 $0x8, s0;
	vm15 =	vne.s32 v2, v3  }
0x9a: {  	p0 =	slt.u32 s0, $0xF8;
	v3 =	vld [tilespmem:s7+$0x30];
	v2 =	vand.u32 $0x3FFF, v2  }
.Ltmp2:
0x9b: {  	_ = 	snop;
	(pc) =	sbr.rel @p0 .LBB2_7-.Ltmp2, $2  }
0x9c: {  	_ =	sdelay $0x2  }
0x9d: {  	s2 =	sadd.s32 $0x80, s2;
	s7 =	sadd.s32 $0x80, s7;
	[tilespmem:v2+s25+$0x0] =	vst.idx.msk vm15, v3  }
0x9e: {  	s31 =	sshll.u32 s30, $0x1  }
0x9f: {  	s2 =	sshll.u32 s30, $0x5;
	s0 =	sadd.s32 s6, s31  }
0xa0: {  	s2 =	sand.u32 $0x60, s2;
	s0 =	sshll.u32 s0, $0xB  }
0xa1: {  	s2 =	sadd.s32 s2, s5;
	s0 =	sand.u32 $0xFFFC000, s0  }
0xa2: {  	s0 =	sadd.s32 s0, s2  }
0xa3: {  	s0 =	sadd.s32 $0x10, s0  }
0xa4: {  	[hbm4b:s0+s21] =	stream.strided.scatter [tilespmem:s25], [sflag:$0x6], $0x4000, s22, s21, $0x38;
	[tilespmem:$0xC100] =	vst v63  }
0xa5: {  	_ =	swait.ge [sflag:s26], $0x4000  }
0xa6: {  	[sflag:s26] =	ssyncset.done $0x0  }
0xa7: {  	s2 =	simm.s32 $0x40;
	s0 =	simm.s32 $0xFFFFFFF8;
	[sflag:s26] =	ssyncadd.s32 $0xFFFFC000  }
.LBB2_9:
0xa8: {  	v2 =	vld [tilespmem:s2+$0xFFFFFFC0];
	_ =	sdelay $0x4  }
0xa9: {  	v2 =	vand.u32 $0x3FFF, v2;
	_ =	sdelay $0x4  }
0xaa: {  	[tilespmem:v2+s20+$0x0] =	vst.idx.msk $0xffff, v0  }
0xab: {  	v2 =	vld [tilespmem:s2+$0xFFFFFFD0];
	_ =	sdelay $0x4  }
0xac: {  	v2 =	vand.u32 $0x3FFF, v2;
	_ =	sdelay $0x4  }
0xad: {  	[tilespmem:v2+s20+$0x0] =	vst.idx.msk $0xffff, v0  }
0xae: {  	v2 =	vld [tilespmem:s2+$0xFFFFFFE0];
	_ =	sdelay $0x4  }
0xaf: {  	v2 =	vand.u32 $0x3FFF, v2;
	_ =	sdelay $0x4  }
0xb0: {  	[tilespmem:v2+s20+$0x0] =	vst.idx.msk $0xffff, v0  }
0xb1: {  	v2 =	vld [tilespmem:s2+$0xFFFFFFF0];
	_ =	sdelay $0x4  }
0xb2: {  	v2 =	vand.u32 $0x3FFF, v2;
	_ =	sdelay $0x4  }
0xb3: {  	[tilespmem:v2+s20+$0x0] =	vst.idx.msk $0xffff, v0  }
0xb4: {  	v2 =	vld [tilespmem:s2+$0x0];
	_ =	sdelay $0x4  }
0xb5: {  	v2 =	vand.u32 $0x3FFF, v2;
	_ =	sdelay $0x4  }
0xb6: {  	[tilespmem:v2+s20+$0x0] =	vst.idx.msk $0xffff, v0  }
0xb7: {  	v2 =	vld [tilespmem:s2+$0x10];
	_ =	sdelay $0x4  }
0xb8: {  	v2 =	vand.u32 $0x3FFF, v2;
	_ =	sdelay $0x4  }
0xb9: {  	[tilespmem:v2+s20+$0x0] =	vst.idx.msk $0xffff, v0  }
0xba: {  	v2 =	vld [tilespmem:s2+$0x20];
	_ =	sdelay $0x4  }
0xbb: {  	v2 =	vand.u32 $0x3FFF, v2;
	_ =	sdelay $0x4  }
0xbc: {  	[tilespmem:v2+s20+$0x0] =	vst.idx.msk $0xffff, v0  }
0xbd: {  	v2 =	vld [tilespmem:s2+$0x30];
	_ =	sdelay $0x3  }
0xbe: {  	s0 =	sadd.s32 $0x8, s0  }
0xbf: {  	p0 =	slt.u32 s0, $0xF8;
	v2 =	vand.u32 $0x3FFF, v2  }
.Ltmp3:
0xc0: {  	_ = 	snop;
	(pc) =	sbr.rel @p0 .LBB2_9-.Ltmp3, $2  }
0xc1: {  	_ =	sdelay $0x2  }
0xc2: {  	s2 =	sadd.s32 $0x80, s2;
	[tilespmem:v2+s20+$0x0] =	vst.idx.msk $0xffff, v0  }
0xc3: {  	s0 =	sadd.s32 $0x2, s31  }
0xc4: {  	s2 =	sadd.s32 s6, s0  }
0xc5: {  	s7 =	sshll.u32 s2, $0x9  }
0xc6: {  	s7 =	sand.u32 $0x1FFFFC00, s7  }
0xc7: {  	s8 =	sadd.s32 s1, s7  }
0xc8: {  	[tilespmem:s3], [sflag:$0x1] =	stream.linear.gather [hbm4b:s8+s3], $0x1000, $0x38;
	[tilespmem:$0xC100] =	vst v63  }
0xc9: {  	s7 =	sadd.s32 s4, s7  }
0xca: {  	[tilespmem:s15], [sflag:$0x3] =	stream.linear.gather [hbm4b:s7+s3], $0x1000, $0x38;
	[tilespmem:$0xC100] =	vst v63  }
0xcb: {  	_ =	swait.ge [sflag:s18], $0x1000  }
0xcc: {  	[sflag:s18] =	ssyncset.done $0x0  }
0xcd: {  	[sflag:s18] =	ssyncadd.s32 $0xFFFFF000  }
0xce: {  	_ =	swait.ge [sflag:s19], $0x1000  }
0xcf: {  	s9 =	simm.s32 $0x2140;
	[sflag:s19] =	ssyncset.done $0x0  }
0xd0: {  	s8 =	simm.s32 $0x40;
	s7 =	simm.s32 $0xFFFFFFF8;
	[sflag:s19] =	ssyncadd.s32 $0xFFFFF000  }
.LBB2_11:
0xd1: {  	v2 =	vld [tilespmem:s8+$0xFFFFFFC0]  }
0xd2: {  	v3 =	vld [tilespmem:s8+$0xFFFFFFC1];
	_ =	sdelay $0x4  }
0xd3: {  	vm0 =	vne.s32 v2, v3  }
0xd4: {  	v3 =	vld [tilespmem:s9+$0xFFFFFFC0];
	v2 =	vand.u32 $0x3FFF, v2;
	_ =	sdelay $0x4  }
0xd5: {  	[tilespmem:v2+s20+$0x0] =	vst.idx.msk vm0, v3  }
0xd6: {  	v2 =	vld [tilespmem:s8+$0xFFFFFFD0]  }
0xd7: {  	v3 =	vld [tilespmem:s8+$0xFFFFFFD1];
	_ =	sdelay $0x4  }
0xd8: {  	vm9 =	vne.s32 v2, v3  }
0xd9: {  	v3 =	vld [tilespmem:s9+$0xFFFFFFD0];
	v2 =	vand.u32 $0x3FFF, v2;
	_ =	sdelay $0x4  }
0xda: {  	[tilespmem:v2+s20+$0x0] =	vst.idx.msk vm9, v3  }
0xdb: {  	v2 =	vld [tilespmem:s8+$0xFFFFFFE0]  }
0xdc: {  	v3 =	vld [tilespmem:s8+$0xFFFFFFE1];
	_ =	sdelay $0x4  }
0xdd: {  	vm10 =	vne.s32 v2, v3  }
0xde: {  	v3 =	vld [tilespmem:s9+$0xFFFFFFE0];
	v2 =	vand.u32 $0x3FFF, v2;
	_ =	sdelay $0x4  }
0xdf: {  	[tilespmem:v2+s20+$0x0] =	vst.idx.msk vm10, v3  }
0xe0: {  	v2 =	vld [tilespmem:s8+$0xFFFFFFF0]  }
0xe1: {  	v3 =	vld [tilespmem:s8+$0xFFFFFFF1];
	_ =	sdelay $0x4  }
0xe2: {  	vm11 =	vne.s32 v2, v3  }
0xe3: {  	v3 =	vld [tilespmem:s9+$0xFFFFFFF0];
	v2 =	vand.u32 $0x3FFF, v2;
	_ =	sdelay $0x4  }
0xe4: {  	[tilespmem:v2+s20+$0x0] =	vst.idx.msk vm11, v3  }
0xe5: {  	v2 =	vld [tilespmem:s8+$0x0]  }
0xe6: {  	v3 =	vld [tilespmem:s8+$0x1];
	_ =	sdelay $0x4  }
0xe7: {  	vm12 =	vne.s32 v2, v3  }
0xe8: {  	v3 =	vld [tilespmem:s9+$0x0];
	v2 =	vand.u32 $0x3FFF, v2;
	_ =	sdelay $0x4  }
0xe9: {  	[tilespmem:v2+s20+$0x0] =	vst.idx.msk vm12, v3  }
0xea: {  	v2 =	vld [tilespmem:s8+$0x10]  }
0xeb: {  	v3 =	vld [tilespmem:s8+$0x11];
	_ =	sdelay $0x4  }
0xec: {  	vm13 =	vne.s32 v2, v3  }
0xed: {  	v3 =	vld [tilespmem:s9+$0x10];
	v2 =	vand.u32 $0x3FFF, v2;
	_ =	sdelay $0x4  }
0xee: {  	[tilespmem:v2+s20+$0x0] =	vst.idx.msk vm13, v3  }
0xef: {  	v2 =	vld [tilespmem:s8+$0x20]  }
0xf0: {  	v3 =	vld [tilespmem:s8+$0x21];
	_ =	sdelay $0x4  }
0xf1: {  	vm14 =	vne.s32 v2, v3  }
0xf2: {  	v3 =	vld [tilespmem:s9+$0x20];
	v2 =	vand.u32 $0x3FFF, v2;
	_ =	sdelay $0x4  }
0xf3: {  	[tilespmem:v2+s20+$0x0] =	vst.idx.msk vm14, v3  }
0xf4: {  	v2 =	vld [tilespmem:s8+$0x30]  }
0xf5: {  	v3 =	vld [tilespmem:s8+$0x31];
	_ =	sdelay $0x4  }
0xf6: {  	s7 =	sadd.s32 $0x8, s7;
	vm15 =	vne.s32 v2, v3  }
0xf7: {  	p0 =	slt.u32 s7, $0xF8;
	v3 =	vld [tilespmem:s9+$0x30];
	v2 =	vand.u32 $0x3FFF, v2  }
.Ltmp4:
0xf8: {  	_ = 	snop;
	(pc) =	sbr.rel @p0 .LBB2_11-.Ltmp4, $2  }
0xf9: {  	_ =	sdelay $0x2  }
0xfa: {  	s8 =	sadd.s32 $0x80, s8;
	s9 =	sadd.s32 $0x80, s9;
	[tilespmem:v2+s20+$0x0] =	vst.idx.msk vm15, v3  }
0xfb: {  	s0 =	sshll.u32 s0, $0x4  }
0xfc: {  	s2 =	sshll.u32 s2, $0xB;
	s0 =	sand.u32 $0x60, s0  }
0xfd: {  	s2 =	sand.u32 $0xFFFC000, s2;
	s0 =	sadd.s32 s5, s0  }
0xfe: {  	s0 =	sadd.s32 s2, s0  }
0xff: {  	[hbm4b:s0+s21] =	stream.strided.scatter [tilespmem:s20], [sflag:$0x5], $0x4000, s22, s21, $0x38;
	[tilespmem:$0xC100] =	vst v63  }
0x100: {  	_ =	swait.ge [sflag:s28], $0x4000  }
0x101: {  	[sflag:s28] =	ssyncset.done $0x0  }
0x102: {  	s2 =	simm.s32 $0x10C0;
	s0 =	simm.s32 $0xFFFFFFF8;
	[sflag:s28] =	ssyncadd.s32 $0xFFFFC000  }
.LBB2_13:
0x103: {  	v2 =	vld [tilespmem:s2+$0xFFFFFFC0];
	_ =	sdelay $0x4  }
0x104: {  	v2 =	vand.u32 $0x3FFF, v2;
	_ =	sdelay $0x4  }
0x105: {  	[tilespmem:v2+s25+$0x0] =	vst.idx.msk $0xffff, v0  }
0x106: {  	v2 =	vld [tilespmem:s2+$0xFFFFFFD0];
	_ =	sdelay $0x4  }
0x107: {  	v2 =	vand.u32 $0x3FFF, v2;
	_ =	sdelay $0x4  }
0x108: {  	[tilespmem:v2+s25+$0x0] =	vst.idx.msk $0xffff, v0  }
0x109: {  	v2 =	vld [tilespmem:s2+$0xFFFFFFE0];
	_ =	sdelay $0x4  }
0x10a: {  	v2 =	vand.u32 $0x3FFF, v2;
	_ =	sdelay $0x4  }
0x10b: {  	[tilespmem:v2+s25+$0x0] =	vst.idx.msk $0xffff, v0  }
0x10c: {  	v2 =	vld [tilespmem:s2+$0xFFFFFFF0];
	_ =	sdelay $0x4  }
0x10d: {  	v2 =	vand.u32 $0x3FFF, v2;
	_ =	sdelay $0x4  }
0x10e: {  	[tilespmem:v2+s25+$0x0] =	vst.idx.msk $0xffff, v0  }
0x10f: {  	v2 =	vld [tilespmem:s2+$0x0];
	_ =	sdelay $0x4  }
0x110: {  	v2 =	vand.u32 $0x3FFF, v2;
	_ =	sdelay $0x4  }
0x111: {  	[tilespmem:v2+s25+$0x0] =	vst.idx.msk $0xffff, v0  }
0x112: {  	v2 =	vld [tilespmem:s2+$0x10];
	_ =	sdelay $0x4  }
0x113: {  	v2 =	vand.u32 $0x3FFF, v2;
	_ =	sdelay $0x4  }
0x114: {  	[tilespmem:v2+s25+$0x0] =	vst.idx.msk $0xffff, v0  }
0x115: {  	v2 =	vld [tilespmem:s2+$0x20];
	_ =	sdelay $0x4  }
0x116: {  	v2 =	vand.u32 $0x3FFF, v2;
	_ =	sdelay $0x4  }
0x117: {  	[tilespmem:v2+s25+$0x0] =	vst.idx.msk $0xffff, v0  }
0x118: {  	v2 =	vld [tilespmem:s2+$0x30];
	_ =	sdelay $0x3  }
0x119: {  	s0 =	sadd.s32 $0x8, s0  }
0x11a: {  	p0 =	slt.u32 s0, $0xF8;
	v2 =	vand.u32 $0x3FFF, v2  }
.Ltmp5:
0x11b: {  	_ = 	snop;
	(pc) =	sbr.rel @p0 .LBB2_13-.Ltmp5, $2  }
0x11c: {  	_ =	sdelay $0x2  }
0x11d: {  	s2 =	sadd.s32 $0x80, s2;
	[tilespmem:v2+s25+$0x0] =	vst.idx.msk $0xffff, v0  }
0x11e: {  	s0 =	sadd.s32 s31, s12;
	s30 =	sadd.s32 $0x1, s30  }
0x11f: {  	s0 =	sshll.u32 s0, $0x9;
	p0 =	sne.s32 s30, $0x17  }
.Ltmp6:
0x120: {  	s0 =	sand.u32 $0x1FFFFE00, s0;
	(pc) =	sbr.rel @p0 .LBB2_6-.Ltmp6, $4  }
0x121: {  	s2 =	sadd.s32 s1, s0  }
0x122: {  	[tilespmem:s16], [sflag:$0x2] =	stream.linear.gather [hbm4b:s2+s3], $0x1000, $0x38;
	[tilespmem:$0xC100] =	vst v63  }
0x123: {  	s0 =	sadd.s32 s4, s0  }
0x124: {  	[tilespmem:s17], [sflag:$0x4] =	stream.linear.gather [hbm4b:s0+s3], $0x1000, $0x38;
	[tilespmem:$0xC100] =	vst v63  }
0x125: {  	_ =	swait.ge [sflag:s23], $0x1000  }
0x126: {  	[sflag:s23] =	ssyncset.done $0x0  }
0x127: {  	[sflag:s23] =	ssyncadd.s32 $0xFFFFF000  }
0x128: {  	_ =	swait.ge [sflag:s24], $0x1000  }
0x129: {  	s0 =	simm.s32 $0xFFFFFFF8;
	[sflag:s24] =	ssyncset.done $0x0  }
0x12a: {  	s2 =	simm.s32 $0x10C0;
	s7 =	simm.s32 $0x3140;
	[sflag:s24] =	ssyncadd.s32 $0xFFFFF000  }
.LBB2_16:
0x12b: {  	v2 =	vld [tilespmem:s2+$0xFFFFFFC0]  }
0x12c: {  	v3 =	vld [tilespmem:s2+$0xFFFFFFC1];
	_ =	sdelay $0x4  }
0x12d: {  	vm0 =	vne.s32 v2, v3  }
0x12e: {  	v3 =	vld [tilespmem:s7+$0xFFFFFFC0];
	v2 =	vand.u32 $0x3FFF, v2;
	_ =	sdelay $0x4  }
0x12f: {  	[tilespmem:v2+s25+$0x0] =	vst.idx.msk vm0, v3  }
0x130: {  	v2 =	vld [tilespmem:s2+$0xFFFFFFD0]  }
0x131: {  	v3 =	vld [tilespmem:s2+$0xFFFFFFD1];
	_ =	sdelay $0x4  }
0x132: {  	vm9 =	vne.s32 v2, v3  }
0x133: {  	v3 =	vld [tilespmem:s7+$0xFFFFFFD0];
	v2 =	vand.u32 $0x3FFF, v2;
	_ =	sdelay $0x4  }
0x134: {  	[tilespmem:v2+s25+$0x0] =	vst.idx.msk vm9, v3  }
0x135: {  	v2 =	vld [tilespmem:s2+$0xFFFFFFE0]  }
0x136: {  	v3 =	vld [tilespmem:s2+$0xFFFFFFE1];
	_ =	sdelay $0x4  }
0x137: {  	vm10 =	vne.s32 v2, v3  }
0x138: {  	v3 =	vld [tilespmem:s7+$0xFFFFFFE0];
	v2 =	vand.u32 $0x3FFF, v2;
	_ =	sdelay $0x4  }
0x139: {  	[tilespmem:v2+s25+$0x0] =	vst.idx.msk vm10, v3  }
0x13a: {  	v2 =	vld [tilespmem:s2+$0xFFFFFFF0]  }
0x13b: {  	v3 =	vld [tilespmem:s2+$0xFFFFFFF1];
	_ =	sdelay $0x4  }
0x13c: {  	vm11 =	vne.s32 v2, v3  }
0x13d: {  	v3 =	vld [tilespmem:s7+$0xFFFFFFF0];
	v2 =	vand.u32 $0x3FFF, v2;
	_ =	sdelay $0x4  }
0x13e: {  	[tilespmem:v2+s25+$0x0] =	vst.idx.msk vm11, v3  }
0x13f: {  	v2 =	vld [tilespmem:s2+$0x0]  }
0x140: {  	v3 =	vld [tilespmem:s2+$0x1];
	_ =	sdelay $0x4  }
0x141: {  	vm12 =	vne.s32 v2, v3  }
0x142: {  	v3 =	vld [tilespmem:s7+$0x0];
	v2 =	vand.u32 $0x3FFF, v2;
	_ =	sdelay $0x4  }
0x143: {  	[tilespmem:v2+s25+$0x0] =	vst.idx.msk vm12, v3  }
0x144: {  	v2 =	vld [tilespmem:s2+$0x10]  }
0x145: {  	v3 =	vld [tilespmem:s2+$0x11];
	_ =	sdelay $0x4  }
0x146: {  	vm13 =	vne.s32 v2, v3  }
0x147: {  	v3 =	vld [tilespmem:s7+$0x10];
	v2 =	vand.u32 $0x3FFF, v2;
	_ =	sdelay $0x4  }
0x148: {  	[tilespmem:v2+s25+$0x0] =	vst.idx.msk vm13, v3  }
0x149: {  	v2 =	vld [tilespmem:s2+$0x20]  }
0x14a: {  	v3 =	vld [tilespmem:s2+$0x21];
	_ =	sdelay $0x4  }
0x14b: {  	vm14 =	vne.s32 v2, v3  }
0x14c: {  	v3 =	vld [tilespmem:s7+$0x20];
	v2 =	vand.u32 $0x3FFF, v2;
	_ =	sdelay $0x4  }
0x14d: {  	[tilespmem:v2+s25+$0x0] =	vst.idx.msk vm14, v3  }
0x14e: {  	v2 =	vld [tilespmem:s2+$0x30]  }
0x14f: {  	v3 =	vld [tilespmem:s2+$0x31];
	_ =	sdelay $0x4  }
0x150: {  	s0 =	sadd.s32 $0x8, s0;
	vm15 =	vne.s32 v2, v3  }
0x151: {  	p0 =	slt.u32 s0, $0xF8;
	v3 =	vld [tilespmem:s7+$0x30];
	v2 =	vand.u32 $0x3FFF, v2  }
.Ltmp7:
0x152: {  	_ = 	snop;
	(pc) =	sbr.rel @p0 .LBB2_16-.Ltmp7, $2  }
0x153: {  	_ =	sdelay $0x2  }
0x154: {  	s2 =	sadd.s32 $0x80, s2;
	s7 =	sadd.s32 $0x80, s7;
	[tilespmem:v2+s25+$0x0] =	vst.idx.msk vm15, v3  }
0x155: {  	[hbm4b:s13+s21] =	stream.strided.scatter [tilespmem:s25], [sflag:$0x6], $0x4000, s22, s21, $0x38;
	[tilespmem:$0xC100] =	vst v63  }
0x156: {  	s29 =	sadd.s32 $0x1, s29  }
0x157: {  	_ =	swait.ge [sflag:s26], $0x4000;
	p0 =	sne.s32 s29, s14  }
.Ltmp8:
0x158: {  	[sflag:s26] =	ssyncset.done $0x0;
	(pc) =	sbr.rel @p0 .LBB2_1-.Ltmp8, $4  }
0x159: {  	[sflag:s26] =	ssyncadd.s32 $0xFFFFC000  }
0x15a: {  	_ =	swait.ge [sflag:s28], $0x4000  }
0x15b: {  	[sflag:s28] =	ssyncset.done $0x0  }
0x15c: {  	[sflag:s28] =	ssyncadd.s32 $0xFFFFC000  }
0x15d: {  	_ =	sfence.sel $0x180000  }
0x15e: {  	[bflag:$0x0] =	sbarrier.arrive $0xFFFF  }
0x15f: {  	_ =	strace $0x90000047  }
0x160: {  	s0 =	stileid.u32;
	[bflag:$0x2] =	sbarrier.arrive $0xFFFF  }
0x161: {  	p0 =	sne.s32 s0, $0x0;
	s0 =	rddreg [dreg:$0x2]  }
0x162: {  	s0 =	sadd.s32 @!p0 $0x100000, s0  }
0x163: {  	[sflag:s0] =	ssyncadd.tile.s32 @!p0 $0x1;
	_ =	shalt  }
.Lfunc_end2:
_tile_overlayer_lowered:
.L_overlay_start_2:
0x164: {  	(tag) =	ssettag $0x2  }
0x165: {  	s0 =	rddreg [dreg:$0x0];
	s2 =	stileid.u32  }
0x166: {  	s1 =	rddreg [dreg:$0x1];
	p0 =	sne.s32 s2, $0x0  }
0x167: {  	s3 =	rddreg [dreg:$0x2];
	[bflag:$0x3] =	sbarrier.arrive $0xFFFF;
	s2 =	simm.s32 @!p0 $0x1C07  }
0x168: {  	[timem:s3], [sflag:s2] =	dma.local @!p0 [hbm:s0], s1  }
0x169: {  	s0 =	simm.s32 @!p0 $0x7  }
0x16a: {  	_ =	swait.ge @!p0 [sflag:s0], s1  }
0x16b: {  	s1 =	ssub.s32 @!p0 $0x0, s1;
	[sflag:s0] =	ssyncset.done @!p0 $0x0  }
0x16c: {  	[sflag:s0] =	ssyncadd.s32 @!p0 s1  }
0x16d: {  	[bflag:$0x3] =	sbarrier.arrive $0xFFFF  }
0x16e: {  	_ =	shalt  }

// kernel: sparse-core-data-format-call.cloned.1.call-start
scs
called_computation_lowered:
.L_overlay_start_0:
0x0: {  	s2 =	sld [smem:$0x3FD9]  }
0x1: {  	s3 =	sld [smem:$0x3FFE];
	_ =	sdelay $0x1  }
0x2: {  	s1 =	srdreg.scid  }
0x3: {  	s0 =	sand.u32 $0x1, s1  }
0x4: {  	s18 =	sshll.u32 s0, $0xA;
	s2 =	sadd.s32 s3, s2  }
0x5: {  	s2 =	sadd.s32 s2, s18  }
0x6: {  	[smem:$0x3FC6] =	sst s2  }
0x7: {  	_ = 	snop  }
0x8: {  	s2 =	sld [smem:$0x3FD0];
	(tm) =	ssettm $0x1  }
0x9: {  	s19 =	sld [smem:$0x3FFB];
	_ =	sdelay $0x3  }
0xa: {  	_ =	strace s19  }
0xb: {  	s3 =	sld [smem:$0x3FFC];
	_ =	sdelay $0x3  }
0xc: {  	_ =	strace s3  }
0xd: {  	s3 =	sld [smem:$0x3FFD];
	_ =	sdelay $0x3  }
0xe: {  	_ =	strace s3  }
0xf: {  	_ =	strace $0x8FFFFFFF  }
0x10: {  	s20 =	sld [smem:$0x3FDB];
	_ =	sdelay $0x1  }
0x11: {  	s4 =	simm.s32 $_scs_section_size  }
0x12: {  	s5 =	simm.s32 $_size__tile_overlayer_lowered;
	s6 =	simm.s32 $_tile_overlayer_lowered  }
0x13: {  	s23 =	simm.s32 $0x1BFF;
	s22 =	sshll.u32 s6, $0x1;
	s3 =	sadd.s32 s4, s20  }
0x14: {  	s7 =	simm.s32 $0x0;
	s21 =	sshll.u32 s5, $0x1;
	s5 =	sadd.s32 s22, s3  }
0x15: {  	[timem:s7], [sflag:s23] =	dma.local [hbm:s5], s21  }
0x16: {  	_ =	swait.ge [sflag:s23], s21  }
0x17: {  	s4 =	ssub.s32 $0x0, s21;
	[sflag:s23] =	ssyncset.done $0x0  }
0x18: {  	[sflag:s23] =	ssyncadd.s32 s4;
	_ =	sdelay $0x1  }
0x19: {  	s24 =	simm.s32 $0x1B8B  }
0x1a: {  	_ =	swait.ge [sflag:s24], $0x1  }
0x1b: {  	[sflag:s24] =	ssyncset.done $0x0  }
0x1c: {  	s26 =	simm.s32 $0x1B8E;
	s25 =	sld [smem:$0x3FFE];
	[sflag:s24] =	ssyncadd.s32 $0xFFFFFFFF  }
0x1d: {  	s27 =	simm.s32 $execute0_lowered;
	[smem:$0x3FD2] =	sst s26  }
0x1e: {  	s5 =	sshll.u32 s27, $0x1;
	_ =	strace $0x80000049;
	[dreg:$0x1] =	wrdreg $0xFFFFFFFF  }
0x1f: {  	s28 =	simm.s32 $_size_execute0_lowered;
	s3 =	sadd.s32 s3, s5;
	[dreg:$0x0] =	wrdreg $0x0  }
0x20: {  	s5 =	sshll.u32 s28, $0x1;
	[dreg:$0x2] =	wrdreg s3  }
0x21: {  	[dreg:$0x3] =	wrdreg s5  }
0x22: {  	[dreg:$0x4] =	wrdreg $0xC0  }
0x23: {  	_ =	task [dreg:s7], $0x5FFFF  }
0x24: {  	[dreg:$0x1] =	wrdreg $0xFFFFFFFF  }
0x25: {  	[dreg:$0x0] =	wrdreg $0x60  }
0x26: {  	[dreg:$0x2] =	wrdreg s25  }
0x27: {  	[dreg:$0x3] =	wrdreg s2  }
0x28: {  	[dreg:$0x4] =	wrdreg $0x9  }
0x29: {  	_ =	task.clear_ibuf [dreg:s7], $0x5FFFF;
	_ =	strace $0x90000049  }
0x2a: {  	s29 =	simm.s32 $0x9;
	_ =	strace $0x8000004B  }
0x2b: {  	_ =	swait.ge [sflag:s29], $0x1  }
0x2c: {  	[sflag:s29] =	ssyncadd.s32 $0xFFFFFFFF  }
0x2d: {  	_ =	strace $0x9000004B  }
0x2e: {  	_ =	sfence  }
0x2f: {  	s30 =	sld [smem:$0x0];
	_ =	sdelay $0x2  }
0x30: {  	s31 =	sshll.u32 s1, $0xD;
	s1 =	sshrl.u32 s1, $0x2  }
0x31: {  	s3 =	sand.u32 $0x4000, s31;
	s1 =	sadd.s32 s1, s30  }
0x32: {  	s0 =	sor.u32 s3, s0;
	s1 =	sshll.u32 s1, $0x11  }
0x33: {  	s0 =	sor.u32 s1, s0  }
0x34: {  	s0 =	sadd.s32 $0x8F2B, s0  }
0x35: {  	[sflag:s0] =	ssyncadd.remote.s32 $0x1  }
0x36: {  	_ =	sfence.sel $0xFFFF  }
0x37: {  	[dreg:$0x0] =	wrdreg $0xFFFFFFFF;
	(pc) =	sbr.abs _section_cstart, $3  }
0x38: {  	[dreg:$0x1] =	wrdreg $0xFFFFFFFF  }
0x39: {  	_ =	task.clear_ibuf [dreg:s7], $0x2FFFF;
	_ =	strace $0x9FFFFFFF  }
0x3a: {  	(tm) =	ssettm $0x7FFFFFFF  }
0x3b: {  	_ =	shalt  }
tec
execute0_lowered:
.L_overlay_start_1:
0x0: {  	(tag) =	ssettag $0x1  }
0x1: {  	s1 =	rddreg [dreg:$0x0]  }
0x2: {  	s2 =	rddreg [dreg:$0x1]  }
0x3: {  	s0 =	rddreg [dreg:$0x2];
	_ =	strace $0x8000004A;
	s4 =	srdreg.scid  }
0x4: {  	s6 =	simm.s32 $0x2;
	s11 =	simm.s32 $0x0;
	p0 =	por $0x0, $0x0  }
.Ltmp0:
0x5: {  	s7 =	simm.s32 $0x4000;
	s12 =	simm.s32 $0x0;
	(pc) =	sbr.rel .LBB1_1-.Ltmp0, $4  }
0x6: {  	s9 =	simm.s32 $0x0;
	s3 =	sadd.s32 $0x241A00, s1;
	s5 =	sshll.u32 s4, $0x4  }
0x7: {  	s1 =	stileid.u32;
	s4 =	simm.s32 $0x1;
	s5 =	sand.u32 $0x10, s5  }
0x8: {  	s8 =	simm.s32 $0x0;
	[sflag:s4] =	ssyncpa.u1 $0x0;
	s5 =	sor.u32 s1, s5  }
0x9: {  	[sflag:s6] =	ssyncpa.u1 $0x0;
	s6 =	simm.s32 $0x800;
	s10 =	smov.u32 s5  }
.LBB1_7:
0xa: {  	s13 =	sadd.s32 $0x10, s9  }
0xb: {  	s11 =	sadd.s32 $0x20, s10;
	s15 =	smov.u32 s10;
	p2 =	sgt.s32 s13, $0x7F  }
0xc: {  	p1 =	slt.u32 s8, $0x2;
	s15 =	smov.u32 @p2 s11  }
0xd: {  	s8 =	sadd.s32 $0x1, s8;
	s13 =	simm.s32 @p2 $0x0;
	p2 =	sgt.s32 s15, $0xBF  }
0xe: {  	s15 =	smov.u32 @p2 s5;
	p2 =	sne.s32 s8, $0x32  }
.Ltmp1:
0xf: {  	_ = 	snop;
	(pc) =	sbr.rel @!p2 .LBB1_8-.Ltmp1, $4  }
0x10: {  	s14 =	simm.s32 @!p1 $0x2  }
0x11: {  	s12 =	smov.u32 s10;
	_ =	swait.ge @!p1 [sflag:s14], $0x4000  }
0x12: {  	p0 =	por !p0, !p0;
	s11 =	smov.u32 s9;
	[sflag:s14] =	ssyncset.done @!p1 $0x0  }
0x13: {  	s9 =	smov.u32 s13;
	[sflag:s14] =	ssyncadd.s32 @!p1 $0xFFFFC000;
	s10 =	smov.u32 s15  }
.LBB1_1:
0x14: {  	p1 =	sgt.u32 s8, $0x2F  }
0x15: {  	s13 =	sxor.u32 @!p1 $0xFFFFFFFF, s8;
	s14 =	sshll.u32 @!p1 s10, $0xE  }
0x16: {  	s15 =	sshll.u32 @!p1 s9, $0x7;
	s13 =	sshll.u32 @!p1 s13, $0xE;
	s14 =	sadd.s32 @!p1 s3, s14  }
0x17: {  	s13 =	sand.u32 @!p1 $0x4000, s13;
	s14 =	sadd.s32 @!p1 s15, s14;
	s15 =	simm.s32 @!p1 $0x0  }
0x18: {  	[tilespmem:s13], [sflag:$0x1] =	stream.linear.gather @!p1 [hbm4b:s14+s15], $0x4000, $0x38;
	[tilespmem:$0x10000] =	vst v63  }
0x19: {  	p1 =	seq.s32 s8, $0x0  }
0x1a: {  	p2 =	seq.s32 @!p1 s8, $0x31  }
0x1b: {  	p1 =	por p1, p2  }
.Ltmp2:
0x1c: {  	_ = 	snop;
	(pc) =	sbr.rel @p1 .LBB1_7-.Ltmp2, $1  }
0x1d: {  	_ =	sdelay $0x3  }
0x1e: {  	s13 =	simm.s32 $0x1;
	_ =	swait.ge [sflag:s4], $0x4000;
	s16 =	sshll.u32 s8, $0xE  }
0x1f: {  	s13 =	simm.s32 @!p0 $0x0;
	[sflag:s4] =	ssyncset.done $0x0;
	s31 =	sand.u32 $0x4000, s16  }
0x20: {  	s16 =	simm.s32 $0x0;
	s14 =	sshll.u32 s13, $0xE;
	[sflag:s4] =	ssyncadd.s32 $0xFFFFC000  }
0x21: {  	s13 =	sor.u32 $0x8040, s14;
	s15 =	sor.u32 $0x40, s14;
	s14 =	sor.u32 $0x8000, s31  }
.LBB1_3:
0x22: {  	v0 =	vmov s15;
	_ =	sdelay $0x3  }
0x23: {  	s18 =	simm.s32 $0x0  }
0x24: {  	v6 =	vld.idx.msk [tilespmem:v0+s18+$0x30 ss:$0x1], $0xffff  }
0x25: {  	v7 =	vld.idx.msk [tilespmem:v0+s18+$0xFFFFFFC0 ss:$0x1], $0xffff  }
0x26: {  	v5 =	vld.idx.msk [tilespmem:v0+s18+$0xFFFFFFD0 ss:$0x1], $0xffff  }
0x27: {  	v4 =	vld.idx.msk [tilespmem:v0+s18+$0xFFFFFFE0 ss:$0x1], $0xffff  }
0x28: {  	v3 =	vld.idx.msk [tilespmem:v0+s18+$0xFFFFFFF0 ss:$0x1], $0xffff  }
0x29: {  	v1 =	vld.idx.msk [tilespmem:v0+s18+$0x0 ss:$0x1], $0xffff  }
0x2a: {  	v2 =	vld.idx.msk [tilespmem:v0+s18+$0x10 ss:$0x1], $0xffff;
	[tilespmem:s13+$0x30] =	vst v6  }
0x2b: {  	s17 =	simm.s32 $0x80;
	s19 =	simm.s32 $0x400;
	[tilespmem:s13+$0xFFFFFFC0] =	vst v7;
	v6 =	vld.idx.msk [tilespmem:v0+s18+$0x20 ss:$0x1], $0xffff;
	s18 =	smov.u32 s13  }
.LBB1_4:
0x2c: {  	p1 =	sne.s32 s19, $0xE00;
	v7 =	vld.idx.msk [tilespmem:v0+s17+$0x30 ss:$0x1], $0xffff;
	[tilespmem:s18+$0xFFFFFFD0] =	vst v5  }
0x2d: {  	v8 =	vld.idx.msk [tilespmem:v0+s17+$0xFFFFFFC0 ss:$0x1], $0xffff;
	[tilespmem:s18+$0xFFFFFFE0] =	vst v4  }
0x2e: {  	v5 =	vld.idx.msk [tilespmem:v0+s17+$0xFFFFFFD0 ss:$0x1], $0xffff;
	[tilespmem:s18+$0xFFFFFFF0] =	vst v3  }
.Ltmp3:
0x2f: {  	v4 =	vld.idx.msk [tilespmem:v0+s17+$0xFFFFFFE0 ss:$0x1], $0xffff;
	[tilespmem:s18+$0x0] =	vst v1;
	(pc) =	sbr.rel @p1 .LBB1_4-.Ltmp3, $4  }
0x30: {  	v3 =	vld.idx.msk [tilespmem:v0+s17+$0xFFFFFFF0 ss:$0x1], $0xffff;
	[tilespmem:s18+$0x10] =	vst v2  }
0x31: {  	v1 =	vld.idx.msk [tilespmem:v0+s17+$0x0 ss:$0x1], $0xffff;
	[tilespmem:s18+$0x20] =	vst v6;
	s18 =	sadd.s32 $0x800, s18  }
0x32: {  	v2 =	vld.idx.msk [tilespmem:v0+s17+$0x10 ss:$0x1], $0xffff;
	[tilespmem:s18+$0x30] =	vst v7  }
0x33: {  	[tilespmem:s18+$0xFFFFFFC0] =	vst v8;
	v6 =	vld.idx.msk [tilespmem:v0+s17+$0x20 ss:$0x1], $0xffff;
	s17 =	sshra.s32 s19, $0x2;
	s19 =	sadd.s32 $0x200, s19  }
0x34: {  	_ =	sdelay $0x2  }
0x35: {  	[tilespmem:s18+$0xFFFFFFD0] =	vst v5  }
0x36: {  	v56 =	vld.idx.msk [tilespmem:v0+s17+$0x30 ss:$0x1], $0xffff;
	[tilespmem:s18+$0xFFFFFFE0] =	vst v4  }
0x37: {  	v57 =	vld.idx.msk [tilespmem:v0+s17+$0xFFFFFFC0 ss:$0x1], $0xffff;
	[tilespmem:s18+$0xFFFFFFF0] =	vst v3  }
0x38: {  	v58 =	vld.idx.msk [tilespmem:v0+s17+$0xFFFFFFD0 ss:$0x1], $0xffff;
	[tilespmem:s18+$0x0] =	vst v1  }
0x39: {  	v59 =	vld.idx.msk [tilespmem:v0+s17+$0xFFFFFFE0 ss:$0x1], $0xffff;
	[tilespmem:s18+$0x10] =	vst v2  }
0x3a: {  	v60 =	vld.idx.msk [tilespmem:v0+s17+$0xFFFFFFF0 ss:$0x1], $0xffff;
	s31 =	sadd.s32 $0x800, s18;
	[tilespmem:s18+$0x20] =	vst v6  }
0x3b: {  	v61 =	vld.idx.msk [tilespmem:v0+s17+$0x0 ss:$0x1], $0xffff;
	[tilespmem:s31+$0x30] =	vst v56  }
0x3c: {  	v62 =	vld.idx.msk [tilespmem:v0+s17+$0x10 ss:$0x1], $0xffff;
	s16 =	sadd.s32 $0x1, s16;
	[tilespmem:s31+$0xFFFFFFC0] =	vst v57  }
0x3d: {  	v63 =	vld.idx.msk [tilespmem:v0+s17+$0x20 ss:$0x1], $0xffff;
	p1 =	sne.s32 s16, $0x10;
	[tilespmem:s31+$0xFFFFFFD0] =	vst v58  }
.Ltmp4:
0x3e: {  	[tilespmem:s31+$0xFFFFFFE0] =	vst v59;
	(pc) =	sbr.rel @p1 .LBB1_3-.Ltmp4, $4  }
0x3f: {  	[tilespmem:s31+$0xFFFFFFF0] =	vst v60  }
0x40: {  	[tilespmem:s31+$0x0] =	vst v61  }
0x41: {  	[tilespmem:s31+$0x10] =	vst v62  }
0x42: {  	s13 =	sadd.s32 $0x80, s13;
	s15 =	sadd.s32 $0x400, s15;
	[tilespmem:s31+$0x20] =	vst v63  }
.Ltmp5:
0x43: {  	(pc) =	sbr.rel .LBB1_7-.Ltmp5, $4  }
0x44: {  	s12 =	sshll.u32 s12, $0xE;
	s11 =	sshll.u32 s11, $0x4  }
0x45: {  	s11 =	sand.u32 $0x7F0, s11;
	s12 =	sadd.s32 s2, s12  }
0x46: {  	s11 =	sadd.s32 s11, s12  }
0x47: {  	[hbm4b:s11+s6] =	stream.strided.scatter [tilespmem:s14], [sflag:$0x2], $0x4000, s7, s6, $0x38;
	[tilespmem:$0x10000] =	vst v63  }
.LBB1_8:
0x48: {  	_ =	sfence.sel $0x180000  }
0x49: {  	s2 =	simm.s32 $0x1;
	[bflag:$0x0] =	sbarrier.arrive $0xFFFF  }
0x4a: {  	s31 =	simm.s32 $0x2;
	[sflag:s2] =	ssyncpa.u1 $0x1  }
0x4b: {  	[sflag:s31] =	ssyncpa.u1 $0x1  }
0x4c: {  	p0 =	sne.s32 s1, $0x0;
	_ =	strace $0x9000004A  }
0x4d: {  	s0 =	sadd.s32 @!p0 $0x100000, s0;
	[bflag:$0x2] =	sbarrier.arrive $0xFFFF  }
0x4e: {  	[sflag:s0] =	ssyncadd.tile.s32 @!p0 $0x1;
	_ =	shalt  }
.Lfunc_end1:
_tile_overlayer_lowered:
.L_overlay_start_2:
0x4f: {  	(tag) =	ssettag $0x2  }
0x50: {  	s0 =	rddreg [dreg:$0x0];
	s2 =	stileid.u32  }
0x51: {  	s1 =	rddreg [dreg:$0x1];
	p0 =	sne.s32 s2, $0x0  }
0x52: {  	s3 =	rddreg [dreg:$0x2];
	[bflag:$0x3] =	sbarrier.arrive $0xFFFF;
	s2 =	simm.s32 @!p0 $0x1C01  }
0x53: {  	[timem:s3], [sflag:s2] =	dma.local @!p0 [hbm:s0], s1  }
0x54: {  	s0 =	simm.s32 @!p0 $0x1  }
0x55: {  	_ =	swait.ge @!p0 [sflag:s0], s1  }
0x56: {  	s1 =	ssub.s32 @!p0 $0x0, s1;
	[sflag:s0] =	ssyncset.done @!p0 $0x0  }
0x57: {  	[sflag:s0] =	ssyncadd.s32 @!p0 s1  }
0x58: {  	[bflag:$0x3] =	sbarrier.arrive $0xFFFF  }
0x59: {  	_ =	shalt  }

</sc_bundles>
